<compile_context>
chip_gen: v7x
topology: tpu7x:2x2x1
jax: 0.10.2.dev20260603
libtpu: 0.0.44.dev20260713+nightly
codegen_flags: <defaults>
</compile_context>

<pallas_src>
import functools

import jax
import jax.numpy as jnp
from jax import lax
from jax.experimental import pallas as pl
from jax.experimental.pallas import tpu as pltpu
from jax.experimental.pallas import tpu_sc as plsc

_N = 10000
_D = 128
_NPAD = 10240
_NROW = _NPAD // 128
_E = 320000
_NC = 2
_NS = 16
_NW = _NC * _NS
_EPU = 128
_UPW = 80
_EPAD = _NW * _UPW * _EPU
_EU = _EPAD // _EPU


def _sc_mesh():
    return plsc.VectorSubcoreMesh(
        core_axis_name="c", subcore_axis_name="s",
        num_cores=_NC, num_subcores=_NS)


_DW = 128


def _sc_degrees(src1d, dst1d, ones_blk, zeros_nd):
    @functools.partial(
        pl.kernel,
        out_type=jax.ShapeDtypeStruct((_NC, 2, _NPAD, _DW), jnp.float32),
        mesh=_sc_mesh(),
        scratch_types=[
            pltpu.VMEM((128,), jnp.int32),
            pltpu.VMEM((128, _DW), jnp.float32),
            pltpu.VMEM_SHARED((_NPAD, _DW), jnp.float32),
        ],
    )
    def deg_kernel(src_hbm, dst_hbm, ones_hbm, zeros_hbm, out_hbm,
                   sidx, ones_v, acc):
        c = lax.axis_index("c")
        s = lax.axis_index("s")
        wid = s * _NC + c
        nrow_t = _NPAD // _NS
        sl = pl.ds(s * nrow_t, nrow_t)
        pltpu.sync_copy(ones_hbm, ones_v)
        for phase, idx_hbm in ((0, src_hbm), (1, dst_hbm)):
            pltpu.sync_copy(zeros_hbm.at[sl], acc.at[sl])
            plsc.subcore_barrier()

            def unit(u, carry):
                e0 = (wid * _UPW + u) * _EPU
                pltpu.sync_copy(idx_hbm.at[pl.ds(e0, _EPU)], sidx)
                pltpu.sync_copy(ones_v, acc.at[sidx], add=True)
                return carry
            lax.fori_loop(0, _UPW, unit, 0)

            plsc.subcore_barrier()
            pltpu.sync_copy(acc.at[sl], out_hbm.at[c, phase, sl])
            plsc.subcore_barrier()

    return deg_kernel(src1d, dst1d, ones_blk, zeros_nd)


def _sc_msg(table, src1d, dst1d, zeros_nd):
    @functools.partial(
        pl.kernel,
        out_type=jax.ShapeDtypeStruct((_NC, _NPAD, 128), jnp.float32),
        mesh=_sc_mesh(),
        scratch_types=[
            pltpu.VMEM((128,), jnp.int32),
            pltpu.VMEM((128,), jnp.int32),
            pltpu.VMEM((128,), jnp.int32),
            pltpu.VMEM((128,), jnp.int32),
            pltpu.VMEM((128, 128), jnp.float32),
            pltpu.VMEM((128, 128), jnp.float32),
            pltpu.VMEM_SHARED((_NPAD, 128), jnp.float32),
            pltpu.SemaphoreType.DMA,
            pltpu.SemaphoreType.DMA,
        ],
    )
    def msg_kernel(table_hbm, src_hbm, dst_hbm, zeros_hbm, out_hbm,
                   sidx0, sidx1, didx0, didx1, rows0, rows1, acc, sem0, sem1):
        c = lax.axis_index("c")
        s = lax.axis_index("s")
        wid = s * _NC + c
        nrow_t = _NPAD // _NS
        sidx = (sidx0, sidx1)
        didx = (didx0, didx1)
        rows = (rows0, rows1)
        sem = (sem0, sem1)
        base = wid * _UPW

        pltpu.sync_copy(zeros_hbm.at[pl.ds(s * nrow_t, nrow_t)],
                        acc.at[pl.ds(s * nrow_t, nrow_t)])
        plsc.subcore_barrier()

        e0 = base * _EPU
        pltpu.sync_copy(src_hbm.at[pl.ds(e0, _EPU)], sidx0)
        pltpu.async_copy(table_hbm.at[sidx0], rows0, sem0)
        pltpu.sync_copy(dst_hbm.at[pl.ds(e0, _EPU)], didx0)

        def pair(g, carry):
            for b in range(2):
                u = g * 2 + b
                nb = 1 - b

                @pl.when(u + 1 < _UPW)
                def _():
                    e1 = (base + u + 1) * _EPU
                    pltpu.sync_copy(src_hbm.at[pl.ds(e1, _EPU)], sidx[nb])
                    pltpu.async_copy(table_hbm.at[sidx[nb]], rows[nb], sem[nb])
                    pltpu.sync_copy(dst_hbm.at[pl.ds(e1, _EPU)], didx[nb])

                pltpu.make_async_copy(table_hbm.at[sidx[b]], rows[b],
                                      sem[b]).wait()
                pltpu.sync_copy(rows[b], acc.at[didx[b]], add=True)
            return carry
        lax.fori_loop(0, _UPW // 2, pair, 0)

        plsc.subcore_barrier()
        pltpu.sync_copy(acc.at[pl.ds(s * nrow_t, nrow_t)],
                        out_hbm.at[c, pl.ds(s * nrow_t, nrow_t)])

    return msg_kernel(table, src1d, dst1d, zeros_nd)


def _scales(deg2d):
    s_out = lax.rsqrt(jnp.maximum(deg2d[0], 1.0))
    s_in = lax.rsqrt(jnp.maximum(deg2d[1], 1.0))
    return s_out, s_in


def _tc_prep(fpad, deg_parts):
    def body(f_ref, dp_ref, out_ref):
        s_out, _ = _scales(dp_ref[...])
        f3 = f_ref[...].reshape(_NROW, 128, 128)
        out_ref[...] = (f3 * s_out[:, :, None]).reshape(_NPAD, 128)
    return pl.pallas_call(
        body,
        out_shape=jax.ShapeDtypeStruct((_NPAD, 128), jnp.float32),
    )(fpad, deg_parts)


def _tc_layer(mp, deg_parts, W, b):
    def body(mp_ref, dp_ref, w_ref, b_ref, out_ref):
        s_out, s_in = _scales(dp_ref[...])
        mm = mp_ref[...]
        m3 = (mm[0] + mm[1]).reshape(_NROW, 128, 128) * s_in[:, :, None]
        h = jnp.dot(m3.reshape(_NPAD, 128), w_ref[...],
                    preferred_element_type=jnp.float32) + b_ref[...]
        h = jnp.maximum(h, 0.0)
        out_ref[...] = (h.reshape(_NROW, 128, 128)
                        * s_out[:, :, None]).reshape(_NPAD, 128)
    return pl.pallas_call(
        body,
        out_shape=jax.ShapeDtypeStruct((_NPAD, 128), jnp.float32),
    )(mp, deg_parts, W, b.reshape(1, -1))


def _tc_head(mp, deg_parts, Wg, bg, T2, Wt, bt,
             W0, b0, W1, b1, W2, b2, W3, b3, W4, b4, W5, b5, W6, b6, W7, b7,
             W_r0, b_r0, W_r1, b_r1, W_r2p, b_r2p, n_groups, n_mols, max_atoms):
    def body(mp_ref, dp_ref, wg_ref, bg_ref, t_ref, wt_ref, bt_ref,
             w0_ref, b0_ref, w1_ref, b1_ref, w2_ref, b2_ref, w3_ref, b3_ref,
             w4_ref, b4_ref, w5_ref, b5_ref, w6_ref, b6_ref, w7_ref, b7_ref,
             wr0_ref, br0_ref, wr1_ref, br1_ref, wr2_ref, br2_ref, out_ref):
        _, s_in = _scales(dp_ref[...])
        mm = mp_ref[...]
        m3 = (mm[0] + mm[1]).reshape(_NROW, 128, 128) * s_in[:, :, None]
        h2 = jnp.dot(m3.reshape(_NPAD, 128), wg_ref[...],
                     preferred_element_type=jnp.float32) + bg_ref[...]
        h2 = jnp.maximum(h2, 0.0)[:_N]
        u1 = jnp.dot(jnp.dot(h2, w0_ref[...],
                             preferred_element_type=jnp.float32) + b0_ref[...],
                     w1_ref[...], preferred_element_type=jnp.float32) + b1_ref[...]
        h2g = h2.reshape(n_groups, max_atoms, 128)
        hmean = jnp.mean(h2g, axis=1)
        T_part = t_ref[...] * wt_ref[...] + bt_ref[...]
        t2 = jnp.dot(jnp.dot(T_part, w2_ref[...],
                             preferred_element_type=jnp.float32) + b2_ref[...],
                     w3_ref[...], preferred_element_type=jnp.float32) + b3_ref[...]
        u1g = u1.reshape(n_groups, max_atoms, 128)
        t2g = t2.reshape(n_groups, n_mols, 128)
        cols = []
        for m_ in range(n_mols):
            t2m = t2g[:, m_, :][:, None, :]
            sm = jnp.sum(jnp.maximum(u1g + t2m, 0.0), axis=1)
            cols.append(hmean + sm * (1.0 / max_atoms))
        mean = jnp.stack(cols, axis=1).reshape(-1, 128)
        update3 = jnp.dot(jnp.dot(mean, w4_ref[...],
                                  preferred_element_type=jnp.float32) + b4_ref[...],
                          w5_ref[...], preferred_element_type=jnp.float32) + b5_ref[...]
        update4 = jnp.dot(jnp.dot(T_part, w6_ref[...],
                                  preferred_element_type=jnp.float32) + b6_ref[...],
                          w7_ref[...], preferred_element_type=jnp.float32) + b7_ref[...]
        updated_T = T_part + jnp.maximum(update3 + update4, 0.0)
        cv = jnp.concatenate([updated_T, mean], axis=-1)
        hh = jnp.maximum(jnp.dot(cv, wr0_ref[...],
                                 preferred_element_type=jnp.float32) + br0_ref[...], 0.0)
        hh = jnp.maximum(jnp.dot(hh, wr1_ref[...],
                                 preferred_element_type=jnp.float32) + br1_ref[...], 0.0)
        out_ref[...] = jnp.maximum(
            jnp.dot(hh, wr2_ref[...],
                    preferred_element_type=jnp.float32) + br2_ref[...], 0.0)
    nb = T2.shape[0]
    return pl.pallas_call(
        body,
        out_shape=jax.ShapeDtypeStruct((nb, 128), jnp.float32),
    )(mp, deg_parts, Wg, bg.reshape(1, -1), T2, Wt.reshape(1, -1),
      bt.reshape(1, -1),
      W0, b0.reshape(1, -1), W1, b1.reshape(1, -1), W2, b2.reshape(1, -1),
      W3, b3.reshape(1, -1), W4, b4.reshape(1, -1), W5, b5.reshape(1, -1),
      W6, b6.reshape(1, -1), W7, b7.reshape(1, -1),
      W_r0, b_r0.reshape(1, -1), W_r1, b_r1.reshape(1, -1), W_r2p, b_r2p)


def kernel(features, edge_index, segment, Max_atoms, T, equation, num_mols,
           training, W_g0, b_g0, W_g1, b_g1, W_t, b_t,
           W0, b0, W1, b1, W2, b2, W3, b3, W4, b4, W5, b5, W6, b6, W7, b7,
           W_r0, b_r0, W_r1, b_r1, W_r2, b_r2):
    n = features.shape[0]
    max_atoms = segment.shape[0] // T.shape[0]
    n_mols = T.shape[0] // (n // max_atoms)
    n_groups = n // max_atoms

    src = edge_index[0]
    dst = edge_index[1]
    pad = _EPAD - _E
    srcp = jnp.concatenate([src, jnp.full((pad,), _N, jnp.int32)])
    dstp = jnp.concatenate([dst, jnp.full((pad,), _N, jnp.int32)])
    fpad = jnp.pad(features, ((0, _NPAD - n), (0, 0)))
    zeros_nd = jnp.zeros((_NPAD, _D), jnp.float32)

    ones_blk = jnp.ones((128, _DW), jnp.float32)
    deg_parts = _sc_degrees(srcp, dstp, ones_blk, zeros_nd)
    deg2d = (deg_parts[0] + deg_parts[1])[:, :, 0].reshape(2, _NROW, 128)
    h0s = _tc_prep(fpad, deg2d)
    m1p = _sc_msg(h0s, srcp, dstp, zeros_nd)
    h1s = _tc_layer(m1p, deg2d, W_g0, b_g0)
    m2p = _sc_msg(h1s, srcp, dstp, zeros_nd)

    W_r2p = jnp.zeros((128, 128), jnp.float32).at[:, :2].set(W_r2)
    b_r2p = jnp.zeros((1, 128), jnp.float32).at[0, :2].set(b_r2)
    predp = _tc_head(m2p, deg2d, W_g1, b_g1, T.reshape(-1, 1), W_t, b_t,
                     W0, b0, W1, b1, W2, b2, W3, b3, W4, b4, W5, b5,
                     W6, b6, W7, b7, W_r0, b_r0, W_r1, b_r1, W_r2p, b_r2p,
                     n_groups, n_mols, max_atoms)
    return predp[:, :2]

# --- scband reference (transcript-rebuilt; emitter-appended) ---
"""Pipeline reference for scband-gcn-unc-65223373357462 (READ-ONLY COPY).

The authoritative reference and input builder live on the scoring server;
editing this copy changes nothing except your own understanding.
"""

import jax, jax.numpy as jnp
import numpy as np

N = 10000
E = 320000
D = 128
H = 128
MAX_ATOMS = 50
NUM_MOLS = 10
NG = N // MAX_ATOMS
B = NG * NUM_MOLS


def _dense_init(key, fan_in, fan_out):
    k1, k2 = jax.random.split(key)
    lim = np.sqrt(6.0 / (fan_in + fan_out))
    W = jax.random.uniform(k1, (fan_in, fan_out), jnp.float32, -lim, lim)
    b = jnp.zeros((fan_out,), jnp.float32)
    return W, b


def setup_inputs(seed: int = 0):
    key = jax.random.key(seed)
    ks = jax.random.split(key, 24)
    inp = {}
    inp["features"] = jax.random.normal(ks[0], (N, D), jnp.float32)
    src = jax.random.randint(ks[1], (E,), 0, N, dtype=jnp.int32)
    dst = jax.random.randint(ks[2], (E,), 0, N, dtype=jnp.int32)
    inp["edge_index"] = jnp.stack([src, dst], axis=0)
    inp["segment"] = jnp.repeat(jnp.arange(B, dtype=jnp.int32), MAX_ATOMS)
    inp["Max_atoms"] = MAX_ATOMS
    inp["T"] = jax.random.uniform(ks[3], (B,), jnp.float32, 0.5, 1.5)
    inp["equation"] = 0
    inp["num_mols"] = NUM_MOLS
    inp["training"] = False
    inp["W_g0"], inp["b_g0"] = _dense_init(ks[4], D, H)
    inp["W_g1"], inp["b_g1"] = _dense_init(ks[5], H, H)
    inp["W_t"], inp["b_t"] = _dense_init(ks[6], 1, H)
    for i in range(8):
        Wi, bi = _dense_init(ks[7 + i], H, H)
        inp["W" + str(i)] = Wi
        inp["b" + str(i)] = bi
    inp["W_r0"], inp["b_r0"] = _dense_init(ks[15], 2 * H, 2 * H)
    inp["W_r1"], inp["b_r1"] = _dense_init(ks[16], 2 * H, H)
    inp["W_r2"] = jnp.ones((H, 2), jnp.float32)
    inp["b_r2"] = jax.random.normal(ks[17], (2,), jnp.float32) * np.sqrt(2.0 / (H + 2))
    return inp


def _graph_conv(x, src, dst, W, b, act, n):
    # DGL GraphConv, norm='both', allow_zero_in_degree=True (degrees clamped to 1)
    out_deg = jnp.maximum(jnp.bincount(src, length=n), 1).astype(jnp.float32)
    h = x * (out_deg ** -0.5)[:, None]
    m = jax.ops.segment_sum(h[src], dst, num_segments=n)
    in_deg = jnp.maximum(jnp.bincount(dst, length=n), 1).astype(jnp.float32)
    m = m * (in_deg ** -0.5)[:, None]
    out = m @ W + b
    if act:
        out = jax.nn.relu(out)
    return out


def reference(features, edge_index, segment, Max_atoms, T, equation, num_mols, training,
              W_g0, b_g0, W_g1, b_g1, W_t, b_t,
              W0, b0, W1, b1, W2, b2, W3, b3, W4, b4, W5, b5, W6, b6, W7, b7,
              W_r0, b_r0, W_r1, b_r1, W_r2, b_r2):
    n = features.shape[0]
    src, dst = edge_index[0], edge_index[1]
    max_atoms = segment.shape[0] // T.shape[0]
    n_mols = T.shape[0] // (n // max_atoms)
    segment = segment + 0 * Max_atoms + 0 * num_mols
    T_part = T.reshape(-1, 1) @ W_t + b_t
    h = _graph_conv(features, src, dst, W_g0, b_g0, True, n)
    h = _graph_conv(h, src, dst, W_g1, b_g1, True, n)
    uaf = h.reshape(-1, max_atoms, h.shape[-1])
    uaf = uaf.reshape(uaf.shape[0], -1)
    uaf = jnp.repeat(uaf, n_mols, axis=0)
    uaf = uaf.reshape(uaf.shape[0], max_atoms, -1)
    update1 = (uaf @ W0 + b0) @ W1 + b1
    t2 = (T_part @ W2 + b2) @ W3 + b3
    update2 = jnp.broadcast_to(t2[:, None, :], (t2.shape[0], max_atoms, t2.shape[-1]))
    uaf = uaf + jax.nn.relu(update1 + update2)
    flat = uaf.reshape(uaf.shape[0] * uaf.shape[1], -1)
    nb = T_part.shape[0]
    seg_sum = jax.ops.segment_sum(flat, segment, num_segments=nb)
    counts = jax.ops.segment_sum(jnp.ones((flat.shape[0],), jnp.float32), segment, num_segments=nb)
    mean = seg_sum / jnp.maximum(counts, 1.0)[:, None]
    update3 = (mean @ W4 + b4) @ W5 + b5
    update4 = (T_part @ W6 + b6) @ W7 + b7
    updated_T = T_part + jax.nn.relu(update3 + update4)
    cv = jnp.concatenate([updated_T, mean], axis=-1)
    hh = jax.nn.relu(cv @ W_r0 + b_r0)
    hh = jax.nn.relu(hh @ W_r1 + b_r1)
    pred = jax.nn.relu(hh @ W_r2 + b_r2)
    return pred

if __name__ == "__main__":
    import jax
    _d = setup_inputs()
    print(jax.jit(kernel)(*tuple(_d.values())))

</pallas_src>

<mosaic_0001>
#map = affine_map<(d0, d1) -> (0)>
#map1 = affine_map<(d0, d1) -> (0, 0)>
#map2 = affine_map<(d0, d1) -> (0, 0, 0, 0)>
module attributes {stable_mosaic.version = 14 : i64} {
  func.func @deg_kernel(%arg0: i32, %arg1: i32, %arg2: memref<327680xi32, #tpu.memory_space<hbm>>, %arg3: memref<327680xi32, #tpu.memory_space<hbm>>, %arg4: memref<128x128xf32, #tpu.memory_space<hbm>>, %arg5: memref<10240x128xf32, #tpu.memory_space<hbm>>, %arg6: memref<2x2x10240x128xf32, #tpu.memory_space<hbm>>, %arg7: memref<128xi32, #tpu.memory_space<vmem>>, %arg8: memref<128x128xf32, #tpu.memory_space<vmem>>, %arg9: memref<10240x128xf32, #tpu.memory_space<vmem_shared>>) attributes {dimension_semantics = [#tpu.dimension_semantics<core_parallel>, #tpu.dimension_semantics<subcore_parallel>], iteration_bounds = array<i64: 2, 16>, scalar_prefetch = 0 : i64, scratch_operands = 3 : i64, tpu.core_type = #tpu.core_type<sc_vector_subcore>, window_params = [{transform_indices = #map}, {transform_indices = #map}, {transform_indices = #map1}, {transform_indices = #map1}, {transform_indices = #map2}]} {
    %mul3A = arith.constant 2 : i32
    %mul3A_0 = arith.muli %arg1, %mul3A : i32
    %add3A = arith.addi %mul3A_0, %arg0 : i32
    %mul3A_1 = arith.constant 640 : i32
    %mul3A_2 = arith.muli %arg1, %mul3A_1 : i32
    "tpu.region"() ({
      %run_scoped3A_20 = tpu.sem_alloc : memref<!tpu.dma_semaphore, #tpu.memory_space<semaphore_mem>>
      tpu.enqueue_dma source(%arg4 : memref<128x128xf32, #tpu.memory_space<hbm>>) target(%arg8 : memref<128x128xf32, #tpu.memory_space<vmem>>) target_semaphore(%run_scoped3A_20 : memref<!tpu.dma_semaphore, #tpu.memory_space<semaphore_mem>>)
      tpu.wait_dma2 semaphore(%run_scoped3A_20 : memref<!tpu.dma_semaphore, #tpu.memory_space<semaphore_mem>>) src(%arg4 : memref<128x128xf32, #tpu.memory_space<hbm>>) dst(%arg8 : memref<128x128xf32, #tpu.memory_space<vmem>>)
      tpu.yield
    }) : () -> ()
    "tpu.region"() ({
      %run_scoped3A_20 = tpu.sem_alloc : memref<!tpu.dma_semaphore, #tpu.memory_space<semaphore_mem>>
      %dma_start3A = arith.constant 0 : i32
      %dma_start3A_21 = tpu.memref_slice %arg9[%mul3A_2, %dma_start3A] : memref<10240x128xf32, #tpu.memory_space<vmem_shared>> -> memref<640x128xf32, #tpu.memory_space<vmem_shared>>
      %dma_start3A_22 = arith.constant 0 : i32
      %dma_start3A_23 = tpu.memref_slice %arg5[%mul3A_2, %dma_start3A_22] : memref<10240x128xf32, #tpu.memory_space<hbm>> -> memref<640x128xf32, #tpu.memory_space<hbm>>
      tpu.enqueue_dma source(%dma_start3A_23 : memref<640x128xf32, #tpu.memory_space<hbm>>) target(%dma_start3A_21 : memref<640x128xf32, #tpu.memory_space<vmem_shared>>) target_semaphore(%run_scoped3A_20 : memref<!tpu.dma_semaphore, #tpu.memory_space<semaphore_mem>>)
      %dma_wait3A = arith.constant 0 : i32
      %dma_wait3A_24 = tpu.memref_slice %arg9[%mul3A_2, %dma_wait3A] : memref<10240x128xf32, #tpu.memory_space<vmem_shared>> -> memref<640x128xf32, #tpu.memory_space<vmem_shared>>
      %dma_wait3A_25 = arith.constant 0 : i32
      %dma_wait3A_26 = tpu.memref_slice %arg5[%mul3A_2, %dma_wait3A_25] : memref<10240x128xf32, #tpu.memory_space<hbm>> -> memref<640x128xf32, #tpu.memory_space<hbm>>
      tpu.wait_dma2 semaphore(%run_scoped3A_20 : memref<!tpu.dma_semaphore, #tpu.memory_space<semaphore_mem>>) src(%dma_wait3A_26 : memref<640x128xf32, #tpu.memory_space<hbm>>) dst(%dma_wait3A_24 : memref<640x128xf32, #tpu.memory_space<vmem_shared>>)
      tpu.yield
    }) : () -> ()
    %barrier3A = arith.constant 0 : index
    tpu.barrier barrier_id(%barrier3A)
    %scan3A = arith.constant 0 : i32
    %scan3A_3 = arith.constant 0 : i32
    %scan3A_4 = arith.constant 80 : i32
    %scan3A_5 = arith.addi %scan3A_3, %scan3A_4 : i32
    %scan3A_6 = arith.constant 1 : i32
    scf.for %scan3A_20 = %scan3A_3 to %scan3A_5 step %scan3A_6  : i32 {
      %mul3A_21 = arith.constant 80 : i32
      %mul3A_22 = arith.muli %add3A, %mul3A_21 : i32
      %add3A_23 = arith.addi %mul3A_22, %scan3A_20 : i32
      %mul3A_24 = arith.constant 128 : i32
      %mul3A_25 = arith.muli %add3A_23, %mul3A_24 : i32
      "tpu.region"() ({
        %run_scoped3A_26 = tpu.sem_alloc : memref<!tpu.dma_semaphore, #tpu.memory_space<semaphore_mem>>
        %dma_start3A = tpu.memref_slice %arg2[%mul3A_25] : memref<327680xi32, #tpu.memory_space<hbm>> -> memref<128xi32, #tpu.memory_space<hbm>>
        %dma_start3A_27 = tpu.memref_slice %arg2[%mul3A_25] : memref<327680xi32, #tpu.memory_space<hbm>> -> memref<128xi32, #tpu.memory_space<hbm>>
        tpu.enqueue_dma source(%dma_start3A_27 : memref<128xi32, #tpu.memory_space<hbm>>) target(%arg7 : memref<128xi32, #tpu.memory_space<vmem>>) target_semaphore(%run_scoped3A_26 : memref<!tpu.dma_semaphore, #tpu.memory_space<semaphore_mem>>)
        %dma_wait3A = tpu.memref_slice %arg2[%mul3A_25] : memref<327680xi32, #tpu.memory_space<hbm>> -> memref<128xi32, #tpu.memory_space<hbm>>
        %dma_wait3A_28 = tpu.memref_slice %arg2[%mul3A_25] : memref<327680xi32, #tpu.memory_space<hbm>> -> memref<128xi32, #tpu.memory_space<hbm>>
        tpu.wait_dma2 semaphore(%run_scoped3A_26 : memref<!tpu.dma_semaphore, #tpu.memory_space<semaphore_mem>>) src(%dma_wait3A_28 : memref<128xi32, #tpu.memory_space<hbm>>) dst(%arg7 : memref<128xi32, #tpu.memory_space<vmem>>)
        tpu.yield
      }) : () -> ()
      "tpu.region"() ({
        %run_scoped3A_26 = tpu.sem_alloc : memref<!tpu.dma_semaphore, #tpu.memory_space<semaphore_mem>>
        %dma_start3A = arith.constant 0 : i32
        %dma_start3A_27 = arith.constant 0 : i32
        %dma_start3A_28 = tpu.memref_slice %arg9[%dma_start3A, %dma_start3A_27] : memref<10240x128xf32, #tpu.memory_space<vmem_shared>> -> memref<10240x128xf32, #tpu.memory_space<vmem_shared>>
        tpu.enqueue_indirect_dma source(%arg8 : memref<128x128xf32, #tpu.memory_space<vmem>>) target(%dma_start3A_28 : memref<10240x128xf32, #tpu.memory_space<vmem_shared>>) offsets(%arg7 : memref<128xi32, #tpu.memory_space<vmem>>) semaphore(%run_scoped3A_26 : memref<!tpu.dma_semaphore, #tpu.memory_space<semaphore_mem>>) {add = true}
        %dma_wait3A = arith.constant 0 : i32
        %dma_wait3A_29 = arith.constant 0 : i32
        %dma_wait3A_30 = tpu.memref_slice %arg9[%dma_wait3A, %dma_wait3A_29] : memref<10240x128xf32, #tpu.memory_space<vmem_shared>> -> memref<10240x128xf32, #tpu.memory_space<vmem_shared>>
        tpu.wait_indirect_dma semaphore(%run_scoped3A_26 : memref<!tpu.dma_semaphore, #tpu.memory_space<semaphore_mem>>) src(%arg8 : memref<128x128xf32, #tpu.memory_space<vmem>>) dst(%dma_wait3A_30 : memref<10240x128xf32, #tpu.memory_space<vmem_shared>>)
        tpu.yield
      }) : () -> ()
    }
    %scan3A_7 = arith.constant 80 : i32
    %barrier3A_8 = arith.constant 0 : index
    tpu.barrier barrier_id(%barrier3A_8)
    %run_scoped3A = arith.constant 0 : i32
    "tpu.region"() ({
      %run_scoped3A_20 = tpu.sem_alloc : memref<!tpu.dma_semaphore, #tpu.memory_space<semaphore_mem>>
      %dma_start3A = arith.constant 0 : i32
      %dma_start3A_21 = tpu.memref_slice %arg6[%arg0, %run_scoped3A, %mul3A_2, %dma_start3A] : memref<2x2x10240x128xf32, #tpu.memory_space<hbm>> -> memref<1x1x640x128xf32, #tpu.memory_space<hbm>>
      %dma_start3A_22 = tpu.memref_squeeze %dma_start3A_21 : memref<1x1x640x128xf32, #tpu.memory_space<hbm>> -> memref<640x128xf32, #tpu.memory_space<hbm>>
      %dma_start3A_23 = arith.constant 0 : i32
      %dma_start3A_24 = tpu.memref_slice %arg9[%mul3A_2, %dma_start3A_23] : memref<10240x128xf32, #tpu.memory_space<vmem_shared>> -> memref<640x128xf32, #tpu.memory_space<vmem_shared>>
      tpu.enqueue_dma source(%dma_start3A_24 : memref<640x128xf32, #tpu.memory_space<vmem_shared>>) target(%dma_start3A_22 : memref<640x128xf32, #tpu.memory_space<hbm>>) target_semaphore(%run_scoped3A_20 : memref<!tpu.dma_semaphore, #tpu.memory_space<semaphore_mem>>)
      %dma_wait3A = arith.constant 0 : i32
      %dma_wait3A_25 = tpu.memref_slice %arg6[%arg0, %run_scoped3A, %mul3A_2, %dma_wait3A] : memref<2x2x10240x128xf32, #tpu.memory_space<hbm>> -> memref<1x1x640x128xf32, #tpu.memory_space<hbm>>
      %dma_wait3A_26 = tpu.memref_squeeze %dma_wait3A_25 : memref<1x1x640x128xf32, #tpu.memory_space<hbm>> -> memref<640x128xf32, #tpu.memory_space<hbm>>
      %dma_wait3A_27 = arith.constant 0 : i32
      %dma_wait3A_28 = tpu.memref_slice %arg9[%mul3A_2, %dma_wait3A_27] : memref<10240x128xf32, #tpu.memory_space<vmem_shared>> -> memref<640x128xf32, #tpu.memory_space<vmem_shared>>
      tpu.wait_dma2 semaphore(%run_scoped3A_20 : memref<!tpu.dma_semaphore, #tpu.memory_space<semaphore_mem>>) src(%dma_wait3A_28 : memref<640x128xf32, #tpu.memory_space<vmem_shared>>) dst(%dma_wait3A_26 : memref<640x128xf32, #tpu.memory_space<hbm>>)
      tpu.yield
    }) : () -> ()
    %barrier3A_9 = arith.constant 0 : index
    tpu.barrier barrier_id(%barrier3A_9)
    "tpu.region"() ({
      %run_scoped3A_20 = tpu.sem_alloc : memref<!tpu.dma_semaphore, #tpu.memory_space<semaphore_mem>>
      %dma_start3A = arith.constant 0 : i32
      %dma_start3A_21 = tpu.memref_slice %arg9[%mul3A_2, %dma_start3A] : memref<10240x128xf32, #tpu.memory_space<vmem_shared>> -> memref<640x128xf32, #tpu.memory_space<vmem_shared>>
      %dma_start3A_22 = arith.constant 0 : i32
      %dma_start3A_23 = tpu.memref_slice %arg5[%mul3A_2, %dma_start3A_22] : memref<10240x128xf32, #tpu.memory_space<hbm>> -> memref<640x128xf32, #tpu.memory_space<hbm>>
      tpu.enqueue_dma source(%dma_start3A_23 : memref<640x128xf32, #tpu.memory_space<hbm>>) target(%dma_start3A_21 : memref<640x128xf32, #tpu.memory_space<vmem_shared>>) target_semaphore(%run_scoped3A_20 : memref<!tpu.dma_semaphore, #tpu.memory_space<semaphore_mem>>)
      %dma_wait3A = arith.constant 0 : i32
      %dma_wait3A_24 = tpu.memref_slice %arg9[%mul3A_2, %dma_wait3A] : memref<10240x128xf32, #tpu.memory_space<vmem_shared>> -> memref<640x128xf32, #tpu.memory_space<vmem_shared>>
      %dma_wait3A_25 = arith.constant 0 : i32
      %dma_wait3A_26 = tpu.memref_slice %arg5[%mul3A_2, %dma_wait3A_25] : memref<10240x128xf32, #tpu.memory_space<hbm>> -> memref<640x128xf32, #tpu.memory_space<hbm>>
      tpu.wait_dma2 semaphore(%run_scoped3A_20 : memref<!tpu.dma_semaphore, #tpu.memory_space<semaphore_mem>>) src(%dma_wait3A_26 : memref<640x128xf32, #tpu.memory_space<hbm>>) dst(%dma_wait3A_24 : memref<640x128xf32, #tpu.memory_space<vmem_shared>>)
      tpu.yield
    }) : () -> ()
    %barrier3A_10 = arith.constant 0 : index
    tpu.barrier barrier_id(%barrier3A_10)
    %scan3A_11 = arith.constant 0 : i32
    %scan3A_12 = arith.constant 0 : i32
    %scan3A_13 = arith.constant 80 : i32
    %scan3A_14 = arith.addi %scan3A_12, %scan3A_13 : i32
    %scan3A_15 = arith.constant 1 : i32
    scf.for %scan3A_20 = %scan3A_12 to %scan3A_14 step %scan3A_15  : i32 {
      %mul3A_21 = arith.constant 80 : i32
      %mul3A_22 = arith.muli %add3A, %mul3A_21 : i32
      %add3A_23 = arith.addi %mul3A_22, %scan3A_20 : i32
      %mul3A_24 = arith.constant 128 : i32
      %mul3A_25 = arith.muli %add3A_23, %mul3A_24 : i32
      "tpu.region"() ({
        %run_scoped3A_26 = tpu.sem_alloc : memref<!tpu.dma_semaphore, #tpu.memory_space<semaphore_mem>>
        %dma_start3A = tpu.memref_slice %arg3[%mul3A_25] : memref<327680xi32, #tpu.memory_space<hbm>> -> memref<128xi32, #tpu.memory_space<hbm>>
        %dma_start3A_27 = tpu.memref_slice %arg3[%mul3A_25] : memref<327680xi32, #tpu.memory_space<hbm>> -> memref<128xi32, #tpu.memory_space<hbm>>
        tpu.enqueue_dma source(%dma_start3A_27 : memref<128xi32, #tpu.memory_space<hbm>>) target(%arg7 : memref<128xi32, #tpu.memory_space<vmem>>) target_semaphore(%run_scoped3A_26 : memref<!tpu.dma_semaphore, #tpu.memory_space<semaphore_mem>>)
        %dma_wait3A = tpu.memref_slice %arg3[%mul3A_25] : memref<327680xi32, #tpu.memory_space<hbm>> -> memref<128xi32, #tpu.memory_space<hbm>>
        %dma_wait3A_28 = tpu.memref_slice %arg3[%mul3A_25] : memref<327680xi32, #tpu.memory_space<hbm>> -> memref<128xi32, #tpu.memory_space<hbm>>
        tpu.wait_dma2 semaphore(%run_scoped3A_26 : memref<!tpu.dma_semaphore, #tpu.memory_space<semaphore_mem>>) src(%dma_wait3A_28 : memref<128xi32, #tpu.memory_space<hbm>>) dst(%arg7 : memref<128xi32, #tpu.memory_space<vmem>>)
        tpu.yield
      }) : () -> ()
      "tpu.region"() ({
        %run_scoped3A_26 = tpu.sem_alloc : memref<!tpu.dma_semaphore, #tpu.memory_space<semaphore_mem>>
        %dma_start3A = arith.constant 0 : i32
        %dma_start3A_27 = arith.constant 0 : i32
        %dma_start3A_28 = tpu.memref_slice %arg9[%dma_start3A, %dma_start3A_27] : memref<10240x128xf32, #tpu.memory_space<vmem_shared>> -> memref<10240x128xf32, #tpu.memory_space<vmem_shared>>
        tpu.enqueue_indirect_dma source(%arg8 : memref<128x128xf32, #tpu.memory_space<vmem>>) target(%dma_start3A_28 : memref<10240x128xf32, #tpu.memory_space<vmem_shared>>) offsets(%arg7 : memref<128xi32, #tpu.memory_space<vmem>>) semaphore(%run_scoped3A_26 : memref<!tpu.dma_semaphore, #tpu.memory_space<semaphore_mem>>) {add = true}
        %dma_wait3A = arith.constant 0 : i32
        %dma_wait3A_29 = arith.constant 0 : i32
        %dma_wait3A_30 = tpu.memref_slice %arg9[%dma_wait3A, %dma_wait3A_29] : memref<10240x128xf32, #tpu.memory_space<vmem_shared>> -> memref<10240x128xf32, #tpu.memory_space<vmem_shared>>
        tpu.wait_indirect_dma semaphore(%run_scoped3A_26 : memref<!tpu.dma_semaphore, #tpu.memory_space<semaphore_mem>>) src(%arg8 : memref<128x128xf32, #tpu.memory_space<vmem>>) dst(%dma_wait3A_30 : memref<10240x128xf32, #tpu.memory_space<vmem_shared>>)
        tpu.yield
      }) : () -> ()
    }
    %scan3A_16 = arith.constant 80 : i32
    %barrier3A_17 = arith.constant 0 : index
    tpu.barrier barrier_id(%barrier3A_17)
    %run_scoped3A_18 = arith.constant 1 : i32
    "tpu.region"() ({
      %run_scoped3A_20 = tpu.sem_alloc : memref<!tpu.dma_semaphore, #tpu.memory_space<semaphore_mem>>
      %dma_start3A = arith.constant 0 : i32
      %dma_start3A_21 = tpu.memref_slice %arg6[%arg0, %run_scoped3A_18, %mul3A_2, %dma_start3A] : memref<2x2x10240x128xf32, #tpu.memory_space<hbm>> -> memref<1x1x640x128xf32, #tpu.memory_space<hbm>>
      %dma_start3A_22 = tpu.memref_squeeze %dma_start3A_21 : memref<1x1x640x128xf32, #tpu.memory_space<hbm>> -> memref<640x128xf32, #tpu.memory_space<hbm>>
      %dma_start3A_23 = arith.constant 0 : i32
      %dma_start3A_24 = tpu.memref_slice %arg9[%mul3A_2, %dma_start3A_23] : memref<10240x128xf32, #tpu.memory_space<vmem_shared>> -> memref<640x128xf32, #tpu.memory_space<vmem_shared>>
      tpu.enqueue_dma source(%dma_start3A_24 : memref<640x128xf32, #tpu.memory_space<vmem_shared>>) target(%dma_start3A_22 : memref<640x128xf32, #tpu.memory_space<hbm>>) target_semaphore(%run_scoped3A_20 : memref<!tpu.dma_semaphore, #tpu.memory_space<semaphore_mem>>)
      %dma_wait3A = arith.constant 0 : i32
      %dma_wait3A_25 = tpu.memref_slice %arg6[%arg0, %run_scoped3A_18, %mul3A_2, %dma_wait3A] : memref<2x2x10240x128xf32, #tpu.memory_space<hbm>> -> memref<1x1x640x128xf32, #tpu.memory_space<hbm>>
      %dma_wait3A_26 = tpu.memref_squeeze %dma_wait3A_25 : memref<1x1x640x128xf32, #tpu.memory_space<hbm>> -> memref<640x128xf32, #tpu.memory_space<hbm>>
      %dma_wait3A_27 = arith.constant 0 : i32
      %dma_wait3A_28 = tpu.memref_slice %arg9[%mul3A_2, %dma_wait3A_27] : memref<10240x128xf32, #tpu.memory_space<vmem_shared>> -> memref<640x128xf32, #tpu.memory_space<vmem_shared>>
      tpu.wait_dma2 semaphore(%run_scoped3A_20 : memref<!tpu.dma_semaphore, #tpu.memory_space<semaphore_mem>>) src(%dma_wait3A_28 : memref<640x128xf32, #tpu.memory_space<vmem_shared>>) dst(%dma_wait3A_26 : memref<640x128xf32, #tpu.memory_space<hbm>>)
      tpu.yield
    }) : () -> ()
    %barrier3A_19 = arith.constant 0 : index
    tpu.barrier barrier_id(%barrier3A_19)
    return
  }
}

#map = affine_map<(d0, d1) -> (0, 0)>
#map1 = affine_map<(d0, d1) -> (0)>
#map2 = affine_map<(d0, d1) -> (0, 0, 0)>
module attributes {stable_mosaic.version = 14 : i64} {
  func.func @msg_kernel(%arg0: i32, %arg1: i32, %arg2: memref<10240x128xf32, #tpu.memory_space<hbm>>, %arg3: memref<327680xi32, #tpu.memory_space<hbm>>, %arg4: memref<327680xi32, #tpu.memory_space<hbm>>, %arg5: memref<10240x128xf32, #tpu.memory_space<hbm>>, %arg6: memref<2x10240x128xf32, #tpu.memory_space<hbm>>, %arg7: memref<128xi32, #tpu.memory_space<vmem>>, %arg8: memref<128xi32, #tpu.memory_space<vmem>>, %arg9: memref<128xi32, #tpu.memory_space<vmem>>, %arg10: memref<128xi32, #tpu.memory_space<vmem>>, %arg11: memref<128x128xf32, #tpu.memory_space<vmem>>, %arg12: memref<128x128xf32, #tpu.memory_space<vmem>>, %arg13: memref<10240x128xf32, #tpu.memory_space<vmem_shared>>, %arg14: memref<!tpu.dma_semaphore, #tpu.memory_space<semaphore_mem>>, %arg15: memref<!tpu.dma_semaphore, #tpu.memory_space<semaphore_mem>>) attributes {dimension_semantics = [#tpu.dimension_semantics<core_parallel>, #tpu.dimension_semantics<subcore_parallel>], iteration_bounds = array<i64: 2, 16>, scalar_prefetch = 0 : i64, scratch_operands = 9 : i64, tpu.core_type = #tpu.core_type<sc_vector_subcore>, window_params = [{transform_indices = #map}, {transform_indices = #map1}, {transform_indices = #map1}, {transform_indices = #map}, {transform_indices = #map2}]} {
    %mul3A = arith.constant 2 : i32
    %mul3A_0 = arith.muli %arg1, %mul3A : i32
    %add3A = arith.addi %mul3A_0, %arg0 : i32
    %mul3A_1 = arith.constant 80 : i32
    %mul3A_2 = arith.muli %add3A, %mul3A_1 : i32
    %mul3A_3 = arith.constant 640 : i32
    %mul3A_4 = arith.muli %arg1, %mul3A_3 : i32
    %mul3A_5 = arith.constant 640 : i32
    %mul3A_6 = arith.muli %arg1, %mul3A_5 : i32
    "tpu.region"() ({
      %run_scoped3A = tpu.sem_alloc : memref<!tpu.dma_semaphore, #tpu.memory_space<semaphore_mem>>
      %dma_start3A_21 = arith.constant 0 : i32
      %dma_start3A_22 = tpu.memref_slice %arg13[%mul3A_6, %dma_start3A_21] : memref<10240x128xf32, #tpu.memory_space<vmem_shared>> -> memref<640x128xf32, #tpu.memory_space<vmem_shared>>
      %dma_start3A_23 = arith.constant 0 : i32
      %dma_start3A_24 = tpu.memref_slice %arg5[%mul3A_4, %dma_start3A_23] : memref<10240x128xf32, #tpu.memory_space<hbm>> -> memref<640x128xf32, #tpu.memory_space<hbm>>
      tpu.enqueue_dma source(%dma_start3A_24 : memref<640x128xf32, #tpu.memory_space<hbm>>) target(%dma_start3A_22 : memref<640x128xf32, #tpu.memory_space<vmem_shared>>) target_semaphore(%run_scoped3A : memref<!tpu.dma_semaphore, #tpu.memory_space<semaphore_mem>>)
      %dma_wait3A = arith.constant 0 : i32
      %dma_wait3A_25 = tpu.memref_slice %arg13[%mul3A_6, %dma_wait3A] : memref<10240x128xf32, #tpu.memory_space<vmem_shared>> -> memref<640x128xf32, #tpu.memory_space<vmem_shared>>
      %dma_wait3A_26 = arith.constant 0 : i32
      %dma_wait3A_27 = tpu.memref_slice %arg5[%mul3A_4, %dma_wait3A_26] : memref<10240x128xf32, #tpu.memory_space<hbm>> -> memref<640x128xf32, #tpu.memory_space<hbm>>
      tpu.wait_dma2 semaphore(%run_scoped3A : memref<!tpu.dma_semaphore, #tpu.memory_space<semaphore_mem>>) src(%dma_wait3A_27 : memref<640x128xf32, #tpu.memory_space<hbm>>) dst(%dma_wait3A_25 : memref<640x128xf32, #tpu.memory_space<vmem_shared>>)
      tpu.yield
    }) : () -> ()
    %barrier3A = arith.constant 0 : index
    tpu.barrier barrier_id(%barrier3A)
    %mul3A_7 = arith.constant 128 : i32
    %mul3A_8 = arith.muli %mul3A_2, %mul3A_7 : i32
    "tpu.region"() ({
      %run_scoped3A = tpu.sem_alloc : memref<!tpu.dma_semaphore, #tpu.memory_space<semaphore_mem>>
      %dma_start3A_21 = tpu.memref_slice %arg3[%mul3A_8] : memref<327680xi32, #tpu.memory_space<hbm>> -> memref<128xi32, #tpu.memory_space<hbm>>
      %dma_start3A_22 = tpu.memref_slice %arg3[%mul3A_8] : memref<327680xi32, #tpu.memory_space<hbm>> -> memref<128xi32, #tpu.memory_space<hbm>>
      tpu.enqueue_dma source(%dma_start3A_22 : memref<128xi32, #tpu.memory_space<hbm>>) target(%arg7 : memref<128xi32, #tpu.memory_space<vmem>>) target_semaphore(%run_scoped3A : memref<!tpu.dma_semaphore, #tpu.memory_space<semaphore_mem>>)
      %dma_wait3A = tpu.memref_slice %arg3[%mul3A_8] : memref<327680xi32, #tpu.memory_space<hbm>> -> memref<128xi32, #tpu.memory_space<hbm>>
      %dma_wait3A_23 = tpu.memref_slice %arg3[%mul3A_8] : memref<327680xi32, #tpu.memory_space<hbm>> -> memref<128xi32, #tpu.memory_space<hbm>>
      tpu.wait_dma2 semaphore(%run_scoped3A : memref<!tpu.dma_semaphore, #tpu.memory_space<semaphore_mem>>) src(%dma_wait3A_23 : memref<128xi32, #tpu.memory_space<hbm>>) dst(%arg7 : memref<128xi32, #tpu.memory_space<vmem>>)
      tpu.yield
    }) : () -> ()
    %dma_start3A = arith.constant 0 : i32
    %dma_start3A_9 = arith.constant 0 : i32
    %dma_start3A_10 = tpu.memref_slice %arg2[%dma_start3A, %dma_start3A_9] : memref<10240x128xf32, #tpu.memory_space<hbm>> -> memref<10240x128xf32, #tpu.memory_space<hbm>>
    tpu.enqueue_indirect_dma source(%dma_start3A_10 : memref<10240x128xf32, #tpu.memory_space<hbm>>) target(%arg11 : memref<128x128xf32, #tpu.memory_space<vmem>>) offsets(%arg7 : memref<128xi32, #tpu.memory_space<vmem>>) semaphore(%arg14 : memref<!tpu.dma_semaphore, #tpu.memory_space<semaphore_mem>>)
    "tpu.region"() ({
      %run_scoped3A = tpu.sem_alloc : memref<!tpu.dma_semaphore, #tpu.memory_space<semaphore_mem>>
      %dma_start3A_21 = tpu.memref_slice %arg4[%mul3A_8] : memref<327680xi32, #tpu.memory_space<hbm>> -> memref<128xi32, #tpu.memory_space<hbm>>
      %dma_start3A_22 = tpu.memref_slice %arg4[%mul3A_8] : memref<327680xi32, #tpu.memory_space<hbm>> -> memref<128xi32, #tpu.memory_space<hbm>>
      tpu.enqueue_dma source(%dma_start3A_22 : memref<128xi32, #tpu.memory_space<hbm>>) target(%arg9 : memref<128xi32, #tpu.memory_space<vmem>>) target_semaphore(%run_scoped3A : memref<!tpu.dma_semaphore, #tpu.memory_space<semaphore_mem>>)
      %dma_wait3A = tpu.memref_slice %arg4[%mul3A_8] : memref<327680xi32, #tpu.memory_space<hbm>> -> memref<128xi32, #tpu.memory_space<hbm>>
      %dma_wait3A_23 = tpu.memref_slice %arg4[%mul3A_8] : memref<327680xi32, #tpu.memory_space<hbm>> -> memref<128xi32, #tpu.memory_space<hbm>>
      tpu.wait_dma2 semaphore(%run_scoped3A : memref<!tpu.dma_semaphore, #tpu.memory_space<semaphore_mem>>) src(%dma_wait3A_23 : memref<128xi32, #tpu.memory_space<hbm>>) dst(%arg9 : memref<128xi32, #tpu.memory_space<vmem>>)
      tpu.yield
    }) : () -> ()
    %scan3A = arith.constant 0 : i32
    %scan3A_11 = arith.constant 0 : i32
    %scan3A_12 = arith.constant 40 : i32
    %scan3A_13 = arith.addi %scan3A_11, %scan3A_12 : i32
    %scan3A_14 = arith.constant 1 : i32
    scf.for %scan3A_21 = %scan3A_11 to %scan3A_13 step %scan3A_14  : i32 {
      %mul3A_22 = arith.constant 2 : i32
      %mul3A_23 = arith.muli %scan3A_21, %mul3A_22 : i32
      %add3A_24 = arith.constant 0 : i32
      %add3A_25 = arith.addi %mul3A_23, %add3A_24 : i32
      %add3A_26 = arith.constant 1 : i32
      %add3A_27 = arith.addi %add3A_25, %add3A_26 : i32
      %lt3A = arith.constant 80 : i32
      %lt3A_28 = arith.cmpi slt, %add3A_27, %lt3A : i32
      %convert_element_type3A = arith.extui %lt3A_28 : i1 to i32
      %cond3A = arith.constant 0 : i32
      %cond3A_29 = arith.cmpi ne, %convert_element_type3A, %cond3A : i32
      scf.if %cond3A_29 {
        %add3A_46 = arith.addi %mul3A_2, %add3A_25 : i32
        %add3A_47 = arith.constant 1 : i32
        %add3A_48 = arith.addi %add3A_46, %add3A_47 : i32
        %mul3A_49 = arith.constant 128 : i32
        %mul3A_50 = arith.muli %add3A_48, %mul3A_49 : i32
        "tpu.region"() ({
          %run_scoped3A = tpu.sem_alloc : memref<!tpu.dma_semaphore, #tpu.memory_space<semaphore_mem>>
          %dma_start3A_54 = tpu.memref_slice %arg3[%mul3A_50] : memref<327680xi32, #tpu.memory_space<hbm>> -> memref<128xi32, #tpu.memory_space<hbm>>
          %dma_start3A_55 = tpu.memref_slice %arg3[%mul3A_50] : memref<327680xi32, #tpu.memory_space<hbm>> -> memref<128xi32, #tpu.memory_space<hbm>>
          tpu.enqueue_dma source(%dma_start3A_55 : memref<128xi32, #tpu.memory_space<hbm>>) target(%arg8 : memref<128xi32, #tpu.memory_space<vmem>>) target_semaphore(%run_scoped3A : memref<!tpu.dma_semaphore, #tpu.memory_space<semaphore_mem>>)
          %dma_wait3A_56 = tpu.memref_slice %arg3[%mul3A_50] : memref<327680xi32, #tpu.memory_space<hbm>> -> memref<128xi32, #tpu.memory_space<hbm>>
          %dma_wait3A_57 = tpu.memref_slice %arg3[%mul3A_50] : memref<327680xi32, #tpu.memory_space<hbm>> -> memref<128xi32, #tpu.memory_space<hbm>>
          tpu.wait_dma2 semaphore(%run_scoped3A : memref<!tpu.dma_semaphore, #tpu.memory_space<semaphore_mem>>) src(%dma_wait3A_57 : memref<128xi32, #tpu.memory_space<hbm>>) dst(%arg8 : memref<128xi32, #tpu.memory_space<vmem>>)
          tpu.yield
        }) : () -> ()
        %dma_start3A_51 = arith.constant 0 : i32
        %dma_start3A_52 = arith.constant 0 : i32
        %dma_start3A_53 = tpu.memref_slice %arg2[%dma_start3A_51, %dma_start3A_52] : memref<10240x128xf32, #tpu.memory_space<hbm>> -> memref<10240x128xf32, #tpu.memory_space<hbm>>
        tpu.enqueue_indirect_dma source(%dma_start3A_53 : memref<10240x128xf32, #tpu.memory_space<hbm>>) target(%arg12 : memref<128x128xf32, #tpu.memory_space<vmem>>) offsets(%arg8 : memref<128xi32, #tpu.memory_space<vmem>>) semaphore(%arg15 : memref<!tpu.dma_semaphore, #tpu.memory_space<semaphore_mem>>)
        "tpu.region"() ({
          %run_scoped3A = tpu.sem_alloc : memref<!tpu.dma_semaphore, #tpu.memory_space<semaphore_mem>>
          %dma_start3A_54 = tpu.memref_slice %arg4[%mul3A_50] : memref<327680xi32, #tpu.memory_space<hbm>> -> memref<128xi32, #tpu.memory_space<hbm>>
          %dma_start3A_55 = tpu.memref_slice %arg4[%mul3A_50] : memref<327680xi32, #tpu.memory_space<hbm>> -> memref<128xi32, #tpu.memory_space<hbm>>
          tpu.enqueue_dma source(%dma_start3A_55 : memref<128xi32, #tpu.memory_space<hbm>>) target(%arg10 : memref<128xi32, #tpu.memory_space<vmem>>) target_semaphore(%run_scoped3A : memref<!tpu.dma_semaphore, #tpu.memory_space<semaphore_mem>>)
          %dma_wait3A_56 = tpu.memref_slice %arg4[%mul3A_50] : memref<327680xi32, #tpu.memory_space<hbm>> -> memref<128xi32, #tpu.memory_space<hbm>>
          %dma_wait3A_57 = tpu.memref_slice %arg4[%mul3A_50] : memref<327680xi32, #tpu.memory_space<hbm>> -> memref<128xi32, #tpu.memory_space<hbm>>
          tpu.wait_dma2 semaphore(%run_scoped3A : memref<!tpu.dma_semaphore, #tpu.memory_space<semaphore_mem>>) src(%dma_wait3A_57 : memref<128xi32, #tpu.memory_space<hbm>>) dst(%arg10 : memref<128xi32, #tpu.memory_space<vmem>>)
          tpu.yield
        }) : () -> ()
      } else {
      }
      %dma_wait3A = arith.constant 0 : i32
      %dma_wait3A_30 = arith.constant 0 : i32
      %dma_wait3A_31 = tpu.memref_slice %arg2[%dma_wait3A, %dma_wait3A_30] : memref<10240x128xf32, #tpu.memory_space<hbm>> -> memref<10240x128xf32, #tpu.memory_space<hbm>>
      tpu.wait_indirect_dma semaphore(%arg14 : memref<!tpu.dma_semaphore, #tpu.memory_space<semaphore_mem>>) src(%dma_wait3A_31 : memref<10240x128xf32, #tpu.memory_space<hbm>>) dst(%arg11 : memref<128x128xf32, #tpu.memory_space<vmem>>)
      "tpu.region"() ({
        %run_scoped3A = tpu.sem_alloc : memref<!tpu.dma_semaphore, #tpu.memory_space<semaphore_mem>>
        %dma_start3A_46 = arith.constant 0 : i32
        %dma_start3A_47 = arith.constant 0 : i32
        %dma_start3A_48 = tpu.memref_slice %arg13[%dma_start3A_46, %dma_start3A_47] : memref<10240x128xf32, #tpu.memory_space<vmem_shared>> -> memref<10240x128xf32, #tpu.memory_space<vmem_shared>>
        tpu.enqueue_indirect_dma source(%arg11 : memref<128x128xf32, #tpu.memory_space<vmem>>) target(%dma_start3A_48 : memref<10240x128xf32, #tpu.memory_space<vmem_shared>>) offsets(%arg9 : memref<128xi32, #tpu.memory_space<vmem>>) semaphore(%run_scoped3A : memref<!tpu.dma_semaphore, #tpu.memory_space<semaphore_mem>>) {add = true}
        %dma_wait3A_49 = arith.constant 0 : i32
        %dma_wait3A_50 = arith.constant 0 : i32
        %dma_wait3A_51 = tpu.memref_slice %arg13[%dma_wait3A_49, %dma_wait3A_50] : memref<10240x128xf32, #tpu.memory_space<vmem_shared>> -> memref<10240x128xf32, #tpu.memory_space<vmem_shared>>
        tpu.wait_indirect_dma semaphore(%run_scoped3A : memref<!tpu.dma_semaphore, #tpu.memory_space<semaphore_mem>>) src(%arg11 : memref<128x128xf32, #tpu.memory_space<vmem>>) dst(%dma_wait3A_51 : memref<10240x128xf32, #tpu.memory_space<vmem_shared>>)
        tpu.yield
      }) : () -> ()
      %mul3A_32 = arith.constant 2 : i32
      %mul3A_33 = arith.muli %scan3A_21, %mul3A_32 : i32
      %add3A_34 = arith.constant 1 : i32
      %add3A_35 = arith.addi %mul3A_33, %add3A_34 : i32
      %add3A_36 = arith.constant 1 : i32
      %add3A_37 = arith.addi %add3A_35, %add3A_36 : i32
      %lt3A_38 = arith.constant 80 : i32
      %lt3A_39 = arith.cmpi slt, %add3A_37, %lt3A_38 : i32
      %convert_element_type3A_40 = arith.extui %lt3A_39 : i1 to i32
      %cond3A_41 = arith.constant 0 : i32
      %cond3A_42 = arith.cmpi ne, %convert_element_type3A_40, %cond3A_41 : i32
      scf.if %cond3A_42 {
        %add3A_46 = arith.addi %mul3A_2, %add3A_35 : i32
        %add3A_47 = arith.constant 1 : i32
        %add3A_48 = arith.addi %add3A_46, %add3A_47 : i32
        %mul3A_49 = arith.constant 128 : i32
        %mul3A_50 = arith.muli %add3A_48, %mul3A_49 : i32
        "tpu.region"() ({
          %run_scoped3A = tpu.sem_alloc : memref<!tpu.dma_semaphore, #tpu.memory_space<semaphore_mem>>
          %dma_start3A_54 = tpu.memref_slice %arg3[%mul3A_50] : memref<327680xi32, #tpu.memory_space<hbm>> -> memref<128xi32, #tpu.memory_space<hbm>>
          %dma_start3A_55 = tpu.memref_slice %arg3[%mul3A_50] : memref<327680xi32, #tpu.memory_space<hbm>> -> memref<128xi32, #tpu.memory_space<hbm>>
          tpu.enqueue_dma source(%dma_start3A_55 : memref<128xi32, #tpu.memory_space<hbm>>) target(%arg7 : memref<128xi32, #tpu.memory_space<vmem>>) target_semaphore(%run_scoped3A : memref<!tpu.dma_semaphore, #tpu.memory_space<semaphore_mem>>)
          %dma_wait3A_56 = tpu.memref_slice %arg3[%mul3A_50] : memref<327680xi32, #tpu.memory_space<hbm>> -> memref<128xi32, #tpu.memory_space<hbm>>
          %dma_wait3A_57 = tpu.memref_slice %arg3[%mul3A_50] : memref<327680xi32, #tpu.memory_space<hbm>> -> memref<128xi32, #tpu.memory_space<hbm>>
          tpu.wait_dma2 semaphore(%run_scoped3A : memref<!tpu.dma_semaphore, #tpu.memory_space<semaphore_mem>>) src(%dma_wait3A_57 : memref<128xi32, #tpu.memory_space<hbm>>) dst(%arg7 : memref<128xi32, #tpu.memory_space<vmem>>)
          tpu.yield
        }) : () -> ()
        %dma_start3A_51 = arith.constant 0 : i32
        %dma_start3A_52 = arith.constant 0 : i32
        %dma_start3A_53 = tpu.memref_slice %arg2[%dma_start3A_51, %dma_start3A_52] : memref<10240x128xf32, #tpu.memory_space<hbm>> -> memref<10240x128xf32, #tpu.memory_space<hbm>>
        tpu.enqueue_indirect_dma source(%dma_start3A_53 : memref<10240x128xf32, #tpu.memory_space<hbm>>) target(%arg11 : memref<128x128xf32, #tpu.memory_space<vmem>>) offsets(%arg7 : memref<128xi32, #tpu.memory_space<vmem>>) semaphore(%arg14 : memref<!tpu.dma_semaphore, #tpu.memory_space<semaphore_mem>>)
        "tpu.region"() ({
          %run_scoped3A = tpu.sem_alloc : memref<!tpu.dma_semaphore, #tpu.memory_space<semaphore_mem>>
          %dma_start3A_54 = tpu.memref_slice %arg4[%mul3A_50] : memref<327680xi32, #tpu.memory_space<hbm>> -> memref<128xi32, #tpu.memory_space<hbm>>
          %dma_start3A_55 = tpu.memref_slice %arg4[%mul3A_50] : memref<327680xi32, #tpu.memory_space<hbm>> -> memref<128xi32, #tpu.memory_space<hbm>>
          tpu.enqueue_dma source(%dma_start3A_55 : memref<128xi32, #tpu.memory_space<hbm>>) target(%arg9 : memref<128xi32, #tpu.memory_space<vmem>>) target_semaphore(%run_scoped3A : memref<!tpu.dma_semaphore, #tpu.memory_space<semaphore_mem>>)
          %dma_wait3A_56 = tpu.memref_slice %arg4[%mul3A_50] : memref<327680xi32, #tpu.memory_space<hbm>> -> memref<128xi32, #tpu.memory_space<hbm>>
          %dma_wait3A_57 = tpu.memref_slice %arg4[%mul3A_50] : memref<327680xi32, #tpu.memory_space<hbm>> -> memref<128xi32, #tpu.memory_space<hbm>>
          tpu.wait_dma2 semaphore(%run_scoped3A : memref<!tpu.dma_semaphore, #tpu.memory_space<semaphore_mem>>) src(%dma_wait3A_57 : memref<128xi32, #tpu.memory_space<hbm>>) dst(%arg9 : memref<128xi32, #tpu.memory_space<vmem>>)
          tpu.yield
        }) : () -> ()
      } else {
      }
      %dma_wait3A_43 = arith.constant 0 : i32
      %dma_wait3A_44 = arith.constant 0 : i32
      %dma_wait3A_45 = tpu.memref_slice %arg2[%dma_wait3A_43, %dma_wait3A_44] : memref<10240x128xf32, #tpu.memory_space<hbm>> -> memref<10240x128xf32, #tpu.memory_space<hbm>>
      tpu.wait_indirect_dma semaphore(%arg15 : memref<!tpu.dma_semaphore, #tpu.memory_space<semaphore_mem>>) src(%dma_wait3A_45 : memref<10240x128xf32, #tpu.memory_space<hbm>>) dst(%arg12 : memref<128x128xf32, #tpu.memory_space<vmem>>)
      "tpu.region"() ({
        %run_scoped3A = tpu.sem_alloc : memref<!tpu.dma_semaphore, #tpu.memory_space<semaphore_mem>>
        %dma_start3A_46 = arith.constant 0 : i32
        %dma_start3A_47 = arith.constant 0 : i32
        %dma_start3A_48 = tpu.memref_slice %arg13[%dma_start3A_46, %dma_start3A_47] : memref<10240x128xf32, #tpu.memory_space<vmem_shared>> -> memref<10240x128xf32, #tpu.memory_space<vmem_shared>>
        tpu.enqueue_indirect_dma source(%arg12 : memref<128x128xf32, #tpu.memory_space<vmem>>) target(%dma_start3A_48 : memref<10240x128xf32, #tpu.memory_space<vmem_shared>>) offsets(%arg10 : memref<128xi32, #tpu.memory_space<vmem>>) semaphore(%run_scoped3A : memref<!tpu.dma_semaphore, #tpu.memory_space<semaphore_mem>>) {add = true}
        %dma_wait3A_49 = arith.constant 0 : i32
        %dma_wait3A_50 = arith.constant 0 : i32
        %dma_wait3A_51 = tpu.memref_slice %arg13[%dma_wait3A_49, %dma_wait3A_50] : memref<10240x128xf32, #tpu.memory_space<vmem_shared>> -> memref<10240x128xf32, #tpu.memory_space<vmem_shared>>
        tpu.wait_indirect_dma semaphore(%run_scoped3A : memref<!tpu.dma_semaphore, #tpu.memory_space<semaphore_mem>>) src(%arg12 : memref<128x128xf32, #tpu.memory_space<vmem>>) dst(%dma_wait3A_51 : memref<10240x128xf32, #tpu.memory_space<vmem_shared>>)
        tpu.yield
      }) : () -> ()
    }
    %scan3A_15 = arith.constant 40 : i32
    %barrier3A_16 = arith.constant 0 : index
    tpu.barrier barrier_id(%barrier3A_16)
    %mul3A_17 = arith.constant 640 : i32
    %mul3A_18 = arith.muli %arg1, %mul3A_17 : i32
    %mul3A_19 = arith.constant 640 : i32
    %mul3A_20 = arith.muli %arg1, %mul3A_19 : i32
    "tpu.region"() ({
      %run_scoped3A = tpu.sem_alloc : memref<!tpu.dma_semaphore, #tpu.memory_space<semaphore_mem>>
      %dma_start3A_21 = arith.constant 0 : i32
      %dma_start3A_22 = tpu.memref_slice %arg6[%arg0, %mul3A_20, %dma_start3A_21] : memref<2x10240x128xf32, #tpu.memory_space<hbm>> -> memref<1x640x128xf32, #tpu.memory_space<hbm>>
      %dma_start3A_23 = tpu.memref_squeeze %dma_start3A_22 : memref<1x640x128xf32, #tpu.memory_space<hbm>> -> memref<640x128xf32, #tpu.memory_space<hbm>>
      %dma_start3A_24 = arith.constant 0 : i32
      %dma_start3A_25 = tpu.memref_slice %arg13[%mul3A_18, %dma_start3A_24] : memref<10240x128xf32, #tpu.memory_space<vmem_shared>> -> memref<640x128xf32, #tpu.memory_space<vmem_shared>>
      tpu.enqueue_dma source(%dma_start3A_25 : memref<640x128xf32, #tpu.memory_space<vmem_shared>>) target(%dma_start3A_23 : memref<640x128xf32, #tpu.memory_space<hbm>>) target_semaphore(%run_scoped3A : memref<!tpu.dma_semaphore, #tpu.memory_space<semaphore_mem>>)
      %dma_wait3A = arith.constant 0 : i32
      %dma_wait3A_26 = tpu.memref_slice %arg6[%arg0, %mul3A_20, %dma_wait3A] : memref<2x10240x128xf32, #tpu.memory_space<hbm>> -> memref<1x640x128xf32, #tpu.memory_space<hbm>>
      %dma_wait3A_27 = tpu.memref_squeeze %dma_wait3A_26 : memref<1x640x128xf32, #tpu.memory_space<hbm>> -> memref<640x128xf32, #tpu.memory_space<hbm>>
      %dma_wait3A_28 = arith.constant 0 : i32
      %dma_wait3A_29 = tpu.memref_slice %arg13[%mul3A_18, %dma_wait3A_28] : memref<10240x128xf32, #tpu.memory_space<vmem_shared>> -> memref<640x128xf32, #tpu.memory_space<vmem_shared>>
      tpu.wait_dma2 semaphore(%run_scoped3A : memref<!tpu.dma_semaphore, #tpu.memory_space<semaphore_mem>>) src(%dma_wait3A_29 : memref<640x128xf32, #tpu.memory_space<vmem_shared>>) dst(%dma_wait3A_27 : memref<640x128xf32, #tpu.memory_space<hbm>>)
      tpu.yield
    }) : () -> ()
    return
  }
}

#map = affine_map<(d0, d1) -> (0, 0)>
#map1 = affine_map<(d0, d1) -> (0)>
#map2 = affine_map<(d0, d1) -> (0, 0, 0)>
module attributes {stable_mosaic.version = 14 : i64} {
  func.func @msg_kernel(%arg0: i32, %arg1: i32, %arg2: memref<10240x128xf32, #tpu.memory_space<hbm>>, %arg3: memref<327680xi32, #tpu.memory_space<hbm>>, %arg4: memref<327680xi32, #tpu.memory_space<hbm>>, %arg5: memref<10240x128xf32, #tpu.memory_space<hbm>>, %arg6: memref<2x10240x128xf32, #tpu.memory_space<hbm>>, %arg7: memref<128xi32, #tpu.memory_space<vmem>>, %arg8: memref<128xi32, #tpu.memory_space<vmem>>, %arg9: memref<128xi32, #tpu.memory_space<vmem>>, %arg10: memref<128xi32, #tpu.memory_space<vmem>>, %arg11: memref<128x128xf32, #tpu.memory_space<vmem>>, %arg12: memref<128x128xf32, #tpu.memory_space<vmem>>, %arg13: memref<10240x128xf32, #tpu.memory_space<vmem_shared>>, %arg14: memref<!tpu.dma_semaphore, #tpu.memory_space<semaphore_mem>>, %arg15: memref<!tpu.dma_semaphore, #tpu.memory_space<semaphore_mem>>) attributes {dimension_semantics = [#tpu.dimension_semantics<core_parallel>, #tpu.dimension_semantics<subcore_parallel>], iteration_bounds = array<i64: 2, 16>, scalar_prefetch = 0 : i64, scratch_operands = 9 : i64, tpu.core_type = #tpu.core_type<sc_vector_subcore>, window_params = [{transform_indices = #map}, {transform_indices = #map1}, {transform_indices = #map1}, {transform_indices = #map}, {transform_indices = #map2}]} {
    %mul3A = arith.constant 2 : i32
    %mul3A_0 = arith.muli %arg1, %mul3A : i32
    %add3A = arith.addi %mul3A_0, %arg0 : i32
    %mul3A_1 = arith.constant 80 : i32
    %mul3A_2 = arith.muli %add3A, %mul3A_1 : i32
    %mul3A_3 = arith.constant 640 : i32
    %mul3A_4 = arith.muli %arg1, %mul3A_3 : i32
    %mul3A_5 = arith.constant 640 : i32
    %mul3A_6 = arith.muli %arg1, %mul3A_5 : i32
    "tpu.region"() ({
      %run_scoped3A = tpu.sem_alloc : memref<!tpu.dma_semaphore, #tpu.memory_space<semaphore_mem>>
      %dma_start3A_21 = arith.constant 0 : i32
      %dma_start3A_22 = tpu.memref_slice %arg13[%mul3A_6, %dma_start3A_21] : memref<10240x128xf32, #tpu.memory_space<vmem_shared>> -> memref<640x128xf32, #tpu.memory_space<vmem_shared>>
      %dma_start3A_23 = arith.constant 0 : i32
      %dma_start3A_24 = tpu.memref_slice %arg5[%mul3A_4, %dma_start3A_23] : memref<10240x128xf32, #tpu.memory_space<hbm>> -> memref<640x128xf32, #tpu.memory_space<hbm>>
      tpu.enqueue_dma source(%dma_start3A_24 : memref<640x128xf32, #tpu.memory_space<hbm>>) target(%dma_start3A_22 : memref<640x128xf32, #tpu.memory_space<vmem_shared>>) target_semaphore(%run_scoped3A : memref<!tpu.dma_semaphore, #tpu.memory_space<semaphore_mem>>)
      %dma_wait3A = arith.constant 0 : i32
      %dma_wait3A_25 = tpu.memref_slice %arg13[%mul3A_6, %dma_wait3A] : memref<10240x128xf32, #tpu.memory_space<vmem_shared>> -> memref<640x128xf32, #tpu.memory_space<vmem_shared>>
      %dma_wait3A_26 = arith.constant 0 : i32
      %dma_wait3A_27 = tpu.memref_slice %arg5[%mul3A_4, %dma_wait3A_26] : memref<10240x128xf32, #tpu.memory_space<hbm>> -> memref<640x128xf32, #tpu.memory_space<hbm>>
      tpu.wait_dma2 semaphore(%run_scoped3A : memref<!tpu.dma_semaphore, #tpu.memory_space<semaphore_mem>>) src(%dma_wait3A_27 : memref<640x128xf32, #tpu.memory_space<hbm>>) dst(%dma_wait3A_25 : memref<640x128xf32, #tpu.memory_space<vmem_shared>>)
      tpu.yield
    }) : () -> ()
    %barrier3A = arith.constant 0 : index
    tpu.barrier barrier_id(%barrier3A)
    %mul3A_7 = arith.constant 128 : i32
    %mul3A_8 = arith.muli %mul3A_2, %mul3A_7 : i32
    "tpu.region"() ({
      %run_scoped3A = tpu.sem_alloc : memref<!tpu.dma_semaphore, #tpu.memory_space<semaphore_mem>>
      %dma_start3A_21 = tpu.memref_slice %arg3[%mul3A_8] : memref<327680xi32, #tpu.memory_space<hbm>> -> memref<128xi32, #tpu.memory_space<hbm>>
      %dma_start3A_22 = tpu.memref_slice %arg3[%mul3A_8] : memref<327680xi32, #tpu.memory_space<hbm>> -> memref<128xi32, #tpu.memory_space<hbm>>
      tpu.enqueue_dma source(%dma_start3A_22 : memref<128xi32, #tpu.memory_space<hbm>>) target(%arg7 : memref<128xi32, #tpu.memory_space<vmem>>) target_semaphore(%run_scoped3A : memref<!tpu.dma_semaphore, #tpu.memory_space<semaphore_mem>>)
      %dma_wait3A = tpu.memref_slice %arg3[%mul3A_8] : memref<327680xi32, #tpu.memory_space<hbm>> -> memref<128xi32, #tpu.memory_space<hbm>>
      %dma_wait3A_23 = tpu.memref_slice %arg3[%mul3A_8] : memref<327680xi32, #tpu.memory_space<hbm>> -> memref<128xi32, #tpu.memory_space<hbm>>
      tpu.wait_dma2 semaphore(%run_scoped3A : memref<!tpu.dma_semaphore, #tpu.memory_space<semaphore_mem>>) src(%dma_wait3A_23 : memref<128xi32, #tpu.memory_space<hbm>>) dst(%arg7 : memref<128xi32, #tpu.memory_space<vmem>>)
      tpu.yield
    }) : () -> ()
    %dma_start3A = arith.constant 0 : i32
    %dma_start3A_9 = arith.constant 0 : i32
    %dma_start3A_10 = tpu.memref_slice %arg2[%dma_start3A, %dma_start3A_9] : memref<10240x128xf32, #tpu.memory_space<hbm>> -> memref<10240x128xf32, #tpu.memory_space<hbm>>
    tpu.enqueue_indirect_dma source(%dma_start3A_10 : memref<10240x128xf32, #tpu.memory_space<hbm>>) target(%arg11 : memref<128x128xf32, #tpu.memory_space<vmem>>) offsets(%arg7 : memref<128xi32, #tpu.memory_space<vmem>>) semaphore(%arg14 : memref<!tpu.dma_semaphore, #tpu.memory_space<semaphore_mem>>)
    "tpu.region"() ({
      %run_scoped3A = tpu.sem_alloc : memref<!tpu.dma_semaphore, #tpu.memory_space<semaphore_mem>>
      %dma_start3A_21 = tpu.memref_slice %arg4[%mul3A_8] : memref<327680xi32, #tpu.memory_space<hbm>> -> memref<128xi32, #tpu.memory_space<hbm>>
      %dma_start3A_22 = tpu.memref_slice %arg4[%mul3A_8] : memref<327680xi32, #tpu.memory_space<hbm>> -> memref<128xi32, #tpu.memory_space<hbm>>
      tpu.enqueue_dma source(%dma_start3A_22 : memref<128xi32, #tpu.memory_space<hbm>>) target(%arg9 : memref<128xi32, #tpu.memory_space<vmem>>) target_semaphore(%run_scoped3A : memref<!tpu.dma_semaphore, #tpu.memory_space<semaphore_mem>>)
      %dma_wait3A = tpu.memref_slice %arg4[%mul3A_8] : memref<327680xi32, #tpu.memory_space<hbm>> -> memref<128xi32, #tpu.memory_space<hbm>>
      %dma_wait3A_23 = tpu.memref_slice %arg4[%mul3A_8] : memref<327680xi32, #tpu.memory_space<hbm>> -> memref<128xi32, #tpu.memory_space<hbm>>
      tpu.wait_dma2 semaphore(%run_scoped3A : memref<!tpu.dma_semaphore, #tpu.memory_space<semaphore_mem>>) src(%dma_wait3A_23 : memref<128xi32, #tpu.memory_space<hbm>>) dst(%arg9 : memref<128xi32, #tpu.memory_space<vmem>>)
      tpu.yield
    }) : () -> ()
    %scan3A = arith.constant 0 : i32
    %scan3A_11 = arith.constant 0 : i32
    %scan3A_12 = arith.constant 40 : i32
    %scan3A_13 = arith.addi %scan3A_11, %scan3A_12 : i32
    %scan3A_14 = arith.constant 1 : i32
    scf.for %scan3A_21 = %scan3A_11 to %scan3A_13 step %scan3A_14  : i32 {
      %mul3A_22 = arith.constant 2 : i32
      %mul3A_23 = arith.muli %scan3A_21, %mul3A_22 : i32
      %add3A_24 = arith.constant 0 : i32
      %add3A_25 = arith.addi %mul3A_23, %add3A_24 : i32
      %add3A_26 = arith.constant 1 : i32
      %add3A_27 = arith.addi %add3A_25, %add3A_26 : i32
      %lt3A = arith.constant 80 : i32
      %lt3A_28 = arith.cmpi slt, %add3A_27, %lt3A : i32
      %convert_element_type3A = arith.extui %lt3A_28 : i1 to i32
      %cond3A = arith.constant 0 : i32
      %cond3A_29 = arith.cmpi ne, %convert_element_type3A, %cond3A : i32
      scf.if %cond3A_29 {
        %add3A_46 = arith.addi %mul3A_2, %add3A_25 : i32
        %add3A_47 = arith.constant 1 : i32
        %add3A_48 = arith.addi %add3A_46, %add3A_47 : i32
        %mul3A_49 = arith.constant 128 : i32
        %mul3A_50 = arith.muli %add3A_48, %mul3A_49 : i32
        "tpu.region"() ({
          %run_scoped3A = tpu.sem_alloc : memref<!tpu.dma_semaphore, #tpu.memory_space<semaphore_mem>>
          %dma_start3A_54 = tpu.memref_slice %arg3[%mul3A_50] : memref<327680xi32, #tpu.memory_space<hbm>> -> memref<128xi32, #tpu.memory_space<hbm>>
          %dma_start3A_55 = tpu.memref_slice %arg3[%mul3A_50] : memref<327680xi32, #tpu.memory_space<hbm>> -> memref<128xi32, #tpu.memory_space<hbm>>
          tpu.enqueue_dma source(%dma_start3A_55 : memref<128xi32, #tpu.memory_space<hbm>>) target(%arg8 : memref<128xi32, #tpu.memory_space<vmem>>) target_semaphore(%run_scoped3A : memref<!tpu.dma_semaphore, #tpu.memory_space<semaphore_mem>>)
          %dma_wait3A_56 = tpu.memref_slice %arg3[%mul3A_50] : memref<327680xi32, #tpu.memory_space<hbm>> -> memref<128xi32, #tpu.memory_space<hbm>>
          %dma_wait3A_57 = tpu.memref_slice %arg3[%mul3A_50] : memref<327680xi32, #tpu.memory_space<hbm>> -> memref<128xi32, #tpu.memory_space<hbm>>
          tpu.wait_dma2 semaphore(%run_scoped3A : memref<!tpu.dma_semaphore, #tpu.memory_space<semaphore_mem>>) src(%dma_wait3A_57 : memref<128xi32, #tpu.memory_space<hbm>>) dst(%arg8 : memref<128xi32, #tpu.memory_space<vmem>>)
          tpu.yield
        }) : () -> ()
        %dma_start3A_51 = arith.constant 0 : i32
        %dma_start3A_52 = arith.constant 0 : i32
        %dma_start3A_53 = tpu.memref_slice %arg2[%dma_start3A_51, %dma_start3A_52] : memref<10240x128xf32, #tpu.memory_space<hbm>> -> memref<10240x128xf32, #tpu.memory_space<hbm>>
        tpu.enqueue_indirect_dma source(%dma_start3A_53 : memref<10240x128xf32, #tpu.memory_space<hbm>>) target(%arg12 : memref<128x128xf32, #tpu.memory_space<vmem>>) offsets(%arg8 : memref<128xi32, #tpu.memory_space<vmem>>) semaphore(%arg15 : memref<!tpu.dma_semaphore, #tpu.memory_space<semaphore_mem>>)
        "tpu.region"() ({
          %run_scoped3A = tpu.sem_alloc : memref<!tpu.dma_semaphore, #tpu.memory_space<semaphore_mem>>
          %dma_start3A_54 = tpu.memref_slice %arg4[%mul3A_50] : memref<327680xi32, #tpu.memory_space<hbm>> -> memref<128xi32, #tpu.memory_space<hbm>>
          %dma_start3A_55 = tpu.memref_slice %arg4[%mul3A_50] : memref<327680xi32, #tpu.memory_space<hbm>> -> memref<128xi32, #tpu.memory_space<hbm>>
          tpu.enqueue_dma source(%dma_start3A_55 : memref<128xi32, #tpu.memory_space<hbm>>) target(%arg10 : memref<128xi32, #tpu.memory_space<vmem>>) target_semaphore(%run_scoped3A : memref<!tpu.dma_semaphore, #tpu.memory_space<semaphore_mem>>)
          %dma_wait3A_56 = tpu.memref_slice %arg4[%mul3A_50] : memref<327680xi32, #tpu.memory_space<hbm>> -> memref<128xi32, #tpu.memory_space<hbm>>
          %dma_wait3A_57 = tpu.memref_slice %arg4[%mul3A_50] : memref<327680xi32, #tpu.memory_space<hbm>> -> memref<128xi32, #tpu.memory_space<hbm>>
          tpu.wait_dma2 semaphore(%run_scoped3A : memref<!tpu.dma_semaphore, #tpu.memory_space<semaphore_mem>>) src(%dma_wait3A_57 : memref<128xi32, #tpu.memory_space<hbm>>) dst(%arg10 : memref<128xi32, #tpu.memory_space<vmem>>)
          tpu.yield
        }) : () -> ()
      } else {
      }
      %dma_wait3A = arith.constant 0 : i32
      %dma_wait3A_30 = arith.constant 0 : i32
      %dma_wait3A_31 = tpu.memref_slice %arg2[%dma_wait3A, %dma_wait3A_30] : memref<10240x128xf32, #tpu.memory_space<hbm>> -> memref<10240x128xf32, #tpu.memory_space<hbm>>
      tpu.wait_indirect_dma semaphore(%arg14 : memref<!tpu.dma_semaphore, #tpu.memory_space<semaphore_mem>>) src(%dma_wait3A_31 : memref<10240x128xf32, #tpu.memory_space<hbm>>) dst(%arg11 : memref<128x128xf32, #tpu.memory_space<vmem>>)
      "tpu.region"() ({
        %run_scoped3A = tpu.sem_alloc : memref<!tpu.dma_semaphore, #tpu.memory_space<semaphore_mem>>
        %dma_start3A_46 = arith.constant 0 : i32
        %dma_start3A_47 = arith.constant 0 : i32
        %dma_start3A_48 = tpu.memref_slice %arg13[%dma_start3A_46, %dma_start3A_47] : memref<10240x128xf32, #tpu.memory_space<vmem_shared>> -> memref<10240x128xf32, #tpu.memory_space<vmem_shared>>
        tpu.enqueue_indirect_dma source(%arg11 : memref<128x128xf32, #tpu.memory_space<vmem>>) target(%dma_start3A_48 : memref<10240x128xf32, #tpu.memory_space<vmem_shared>>) offsets(%arg9 : memref<128xi32, #tpu.memory_space<vmem>>) semaphore(%run_scoped3A : memref<!tpu.dma_semaphore, #tpu.memory_space<semaphore_mem>>) {add = true}
        %dma_wait3A_49 = arith.constant 0 : i32
        %dma_wait3A_50 = arith.constant 0 : i32
        %dma_wait3A_51 = tpu.memref_slice %arg13[%dma_wait3A_49, %dma_wait3A_50] : memref<10240x128xf32, #tpu.memory_space<vmem_shared>> -> memref<10240x128xf32, #tpu.memory_space<vmem_shared>>
        tpu.wait_indirect_dma semaphore(%run_scoped3A : memref<!tpu.dma_semaphore, #tpu.memory_space<semaphore_mem>>) src(%arg11 : memref<128x128xf32, #tpu.memory_space<vmem>>) dst(%dma_wait3A_51 : memref<10240x128xf32, #tpu.memory_space<vmem_shared>>)
        tpu.yield
      }) : () -> ()
      %mul3A_32 = arith.constant 2 : i32
      %mul3A_33 = arith.muli %scan3A_21, %mul3A_32 : i32
      %add3A_34 = arith.constant 1 : i32
      %add3A_35 = arith.addi %mul3A_33, %add3A_34 : i32
      %add3A_36 = arith.constant 1 : i32
      %add3A_37 = arith.addi %add3A_35, %add3A_36 : i32
      %lt3A_38 = arith.constant 80 : i32
      %lt3A_39 = arith.cmpi slt, %add3A_37, %lt3A_38 : i32
      %convert_element_type3A_40 = arith.extui %lt3A_39 : i1 to i32
      %cond3A_41 = arith.constant 0 : i32
      %cond3A_42 = arith.cmpi ne, %convert_element_type3A_40, %cond3A_41 : i32
      scf.if %cond3A_42 {
        %add3A_46 = arith.addi %mul3A_2, %add3A_35 : i32
        %add3A_47 = arith.constant 1 : i32
        %add3A_48 = arith.addi %add3A_46, %add3A_47 : i32
        %mul3A_49 = arith.constant 128 : i32
        %mul3A_50 = arith.muli %add3A_48, %mul3A_49 : i32
        "tpu.region"() ({
          %run_scoped3A = tpu.sem_alloc : memref<!tpu.dma_semaphore, #tpu.memory_space<semaphore_mem>>
          %dma_start3A_54 = tpu.memref_slice %arg3[%mul3A_50] : memref<327680xi32, #tpu.memory_space<hbm>> -> memref<128xi32, #tpu.memory_space<hbm>>
          %dma_start3A_55 = tpu.memref_slice %arg3[%mul3A_50] : memref<327680xi32, #tpu.memory_space<hbm>> -> memref<128xi32, #tpu.memory_space<hbm>>
          tpu.enqueue_dma source(%dma_start3A_55 : memref<128xi32, #tpu.memory_space<hbm>>) target(%arg7 : memref<128xi32, #tpu.memory_space<vmem>>) target_semaphore(%run_scoped3A : memref<!tpu.dma_semaphore, #tpu.memory_space<semaphore_mem>>)
          %dma_wait3A_56 = tpu.memref_slice %arg3[%mul3A_50] : memref<327680xi32, #tpu.memory_space<hbm>> -> memref<128xi32, #tpu.memory_space<hbm>>
          %dma_wait3A_57 = tpu.memref_slice %arg3[%mul3A_50] : memref<327680xi32, #tpu.memory_space<hbm>> -> memref<128xi32, #tpu.memory_space<hbm>>
          tpu.wait_dma2 semaphore(%run_scoped3A : memref<!tpu.dma_semaphore, #tpu.memory_space<semaphore_mem>>) src(%dma_wait3A_57 : memref<128xi32, #tpu.memory_space<hbm>>) dst(%arg7 : memref<128xi32, #tpu.memory_space<vmem>>)
          tpu.yield
        }) : () -> ()
        %dma_start3A_51 = arith.constant 0 : i32
        %dma_start3A_52 = arith.constant 0 : i32
        %dma_start3A_53 = tpu.memref_slice %arg2[%dma_start3A_51, %dma_start3A_52] : memref<10240x128xf32, #tpu.memory_space<hbm>> -> memref<10240x128xf32, #tpu.memory_space<hbm>>
        tpu.enqueue_indirect_dma source(%dma_start3A_53 : memref<10240x128xf32, #tpu.memory_space<hbm>>) target(%arg11 : memref<128x128xf32, #tpu.memory_space<vmem>>) offsets(%arg7 : memref<128xi32, #tpu.memory_space<vmem>>) semaphore(%arg14 : memref<!tpu.dma_semaphore, #tpu.memory_space<semaphore_mem>>)
        "tpu.region"() ({
          %run_scoped3A = tpu.sem_alloc : memref<!tpu.dma_semaphore, #tpu.memory_space<semaphore_mem>>
          %dma_start3A_54 = tpu.memref_slice %arg4[%mul3A_50] : memref<327680xi32, #tpu.memory_space<hbm>> -> memref<128xi32, #tpu.memory_space<hbm>>
          %dma_start3A_55 = tpu.memref_slice %arg4[%mul3A_50] : memref<327680xi32, #tpu.memory_space<hbm>> -> memref<128xi32, #tpu.memory_space<hbm>>
          tpu.enqueue_dma source(%dma_start3A_55 : memref<128xi32, #tpu.memory_space<hbm>>) target(%arg9 : memref<128xi32, #tpu.memory_space<vmem>>) target_semaphore(%run_scoped3A : memref<!tpu.dma_semaphore, #tpu.memory_space<semaphore_mem>>)
          %dma_wait3A_56 = tpu.memref_slice %arg4[%mul3A_50] : memref<327680xi32, #tpu.memory_space<hbm>> -> memref<128xi32, #tpu.memory_space<hbm>>
          %dma_wait3A_57 = tpu.memref_slice %arg4[%mul3A_50] : memref<327680xi32, #tpu.memory_space<hbm>> -> memref<128xi32, #tpu.memory_space<hbm>>
          tpu.wait_dma2 semaphore(%run_scoped3A : memref<!tpu.dma_semaphore, #tpu.memory_space<semaphore_mem>>) src(%dma_wait3A_57 : memref<128xi32, #tpu.memory_space<hbm>>) dst(%arg9 : memref<128xi32, #tpu.memory_space<vmem>>)
          tpu.yield
        }) : () -> ()
      } else {
      }
      %dma_wait3A_43 = arith.constant 0 : i32
      %dma_wait3A_44 = arith.constant 0 : i32
      %dma_wait3A_45 = tpu.memref_slice %arg2[%dma_wait3A_43, %dma_wait3A_44] : memref<10240x128xf32, #tpu.memory_space<hbm>> -> memref<10240x128xf32, #tpu.memory_space<hbm>>
      tpu.wait_indirect_dma semaphore(%arg15 : memref<!tpu.dma_semaphore, #tpu.memory_space<semaphore_mem>>) src(%dma_wait3A_45 : memref<10240x128xf32, #tpu.memory_space<hbm>>) dst(%arg12 : memref<128x128xf32, #tpu.memory_space<vmem>>)
      "tpu.region"() ({
        %run_scoped3A = tpu.sem_alloc : memref<!tpu.dma_semaphore, #tpu.memory_space<semaphore_mem>>
        %dma_start3A_46 = arith.constant 0 : i32
        %dma_start3A_47 = arith.constant 0 : i32
        %dma_start3A_48 = tpu.memref_slice %arg13[%dma_start3A_46, %dma_start3A_47] : memref<10240x128xf32, #tpu.memory_space<vmem_shared>> -> memref<10240x128xf32, #tpu.memory_space<vmem_shared>>
        tpu.enqueue_indirect_dma source(%arg12 : memref<128x128xf32, #tpu.memory_space<vmem>>) target(%dma_start3A_48 : memref<10240x128xf32, #tpu.memory_space<vmem_shared>>) offsets(%arg10 : memref<128xi32, #tpu.memory_space<vmem>>) semaphore(%run_scoped3A : memref<!tpu.dma_semaphore, #tpu.memory_space<semaphore_mem>>) {add = true}
        %dma_wait3A_49 = arith.constant 0 : i32
        %dma_wait3A_50 = arith.constant 0 : i32
        %dma_wait3A_51 = tpu.memref_slice %arg13[%dma_wait3A_49, %dma_wait3A_50] : memref<10240x128xf32, #tpu.memory_space<vmem_shared>> -> memref<10240x128xf32, #tpu.memory_space<vmem_shared>>
        tpu.wait_indirect_dma semaphore(%run_scoped3A : memref<!tpu.dma_semaphore, #tpu.memory_space<semaphore_mem>>) src(%arg12 : memref<128x128xf32, #tpu.memory_space<vmem>>) dst(%dma_wait3A_51 : memref<10240x128xf32, #tpu.memory_space<vmem_shared>>)
        tpu.yield
      }) : () -> ()
    }
    %scan3A_15 = arith.constant 40 : i32
    %barrier3A_16 = arith.constant 0 : index
    tpu.barrier barrier_id(%barrier3A_16)
    %mul3A_17 = arith.constant 640 : i32
    %mul3A_18 = arith.muli %arg1, %mul3A_17 : i32
    %mul3A_19 = arith.constant 640 : i32
    %mul3A_20 = arith.muli %arg1, %mul3A_19 : i32
    "tpu.region"() ({
      %run_scoped3A = tpu.sem_alloc : memref<!tpu.dma_semaphore, #tpu.memory_space<semaphore_mem>>
      %dma_start3A_21 = arith.constant 0 : i32
      %dma_start3A_22 = tpu.memref_slice %arg6[%arg0, %mul3A_20, %dma_start3A_21] : memref<2x10240x128xf32, #tpu.memory_space<hbm>> -> memref<1x640x128xf32, #tpu.memory_space<hbm>>
      %dma_start3A_23 = tpu.memref_squeeze %dma_start3A_22 : memref<1x640x128xf32, #tpu.memory_space<hbm>> -> memref<640x128xf32, #tpu.memory_space<hbm>>
      %dma_start3A_24 = arith.constant 0 : i32
      %dma_start3A_25 = tpu.memref_slice %arg13[%mul3A_18, %dma_start3A_24] : memref<10240x128xf32, #tpu.memory_space<vmem_shared>> -> memref<640x128xf32, #tpu.memory_space<vmem_shared>>
      tpu.enqueue_dma source(%dma_start3A_25 : memref<640x128xf32, #tpu.memory_space<vmem_shared>>) target(%dma_start3A_23 : memref<640x128xf32, #tpu.memory_space<hbm>>) target_semaphore(%run_scoped3A : memref<!tpu.dma_semaphore, #tpu.memory_space<semaphore_mem>>)
      %dma_wait3A = arith.constant 0 : i32
      %dma_wait3A_26 = tpu.memref_slice %arg6[%arg0, %mul3A_20, %dma_wait3A] : memref<2x10240x128xf32, #tpu.memory_space<hbm>> -> memref<1x640x128xf32, #tpu.memory_space<hbm>>
      %dma_wait3A_27 = tpu.memref_squeeze %dma_wait3A_26 : memref<1x640x128xf32, #tpu.memory_space<hbm>> -> memref<640x128xf32, #tpu.memory_space<hbm>>
      %dma_wait3A_28 = arith.constant 0 : i32
      %dma_wait3A_29 = tpu.memref_slice %arg13[%mul3A_18, %dma_wait3A_28] : memref<10240x128xf32, #tpu.memory_space<vmem_shared>> -> memref<640x128xf32, #tpu.memory_space<vmem_shared>>
      tpu.wait_dma2 semaphore(%run_scoped3A : memref<!tpu.dma_semaphore, #tpu.memory_space<semaphore_mem>>) src(%dma_wait3A_29 : memref<640x128xf32, #tpu.memory_space<vmem_shared>>) dst(%dma_wait3A_27 : memref<640x128xf32, #tpu.memory_space<hbm>>)
      tpu.yield
    }) : () -> ()
    return
  }
}

module attributes {stable_mosaic.version = 14 : i64} {
  func.func @body(%arg0: memref<10240x128xf32, #tpu.memory_space<vmem>>, %arg1: memref<2x80x128xf32, #tpu.memory_space<vmem>>, %arg2: memref<10240x128xf32, #tpu.memory_space<vmem>>) attributes {dimension_semantics = [], scalar_prefetch = 0 : i64, scratch_operands = 0 : i64, tpu.core_type = #tpu.core_type<tc>} {
    %get3A = arith.constant 0 : index
    %get3A_0 = arith.constant 0 : index
    %get3A_1 = arith.constant 0 : index
    %get3A_2 = vector.load %arg1[%get3A, %get3A_0, %get3A_1] : memref<2x80x128xf32, #tpu.memory_space<vmem>>, vector<2x80x128xf32>
    %slice3A = vector.extract_strided_slice %get3A_2 {offsets = [0, 0, 0], sizes = [1, 80, 128], strides = [1, 1, 1]} : vector<2x80x128xf32> to vector<1x80x128xf32>
    %squeeze3A = vector.shape_cast %slice3A : vector<1x80x128xf32> to vector<80x128xf32>
    %max3A = arith.constant 1.000000e+00 : f32
    %max3A_3 = vector.broadcast %max3A : f32 to vector<80x128xf32>
    %max3A_4 = arith.maximumf %squeeze3A, %max3A_3 : vector<80x128xf32>
    %rsqrt3A = math.rsqrt %max3A_4 : vector<80x128xf32>
    %get3A_5 = arith.constant 0 : index
    %get3A_6 = arith.constant 0 : index
    %get3A_7 = vector.load %arg0[%get3A_5, %get3A_6] : memref<10240x128xf32, #tpu.memory_space<vmem>>, vector<10240x128xf32>
    %reshape3A = vector.shape_cast %get3A_7 : vector<10240x128xf32> to vector<80x128x128xf32>
    %broadcast_in_dim3A = vector.shape_cast %rsqrt3A : vector<80x128xf32> to vector<80x128x1xf32>
    %mul3A = vector.broadcast %broadcast_in_dim3A : vector<80x128x1xf32> to vector<80x128x128xf32>
    %mul3A_8 = arith.mulf %reshape3A, %mul3A : vector<80x128x128xf32>
    %reshape3A_9 = vector.shape_cast %mul3A_8 : vector<80x128x128xf32> to vector<10240x128xf32>
    %swap3A = arith.constant 0 : index
    %swap3A_10 = arith.constant 0 : index
    %swap3A_11 = vector.load %arg2[%swap3A, %swap3A_10] : memref<10240x128xf32, #tpu.memory_space<vmem>>, vector<10240x128xf32>
    tpu.vector_store %arg2[%swap3A, %swap3A_10], %reshape3A_9 {strides = array<i32>} : memref<10240x128xf32, #tpu.memory_space<vmem>>, vector<10240x128xf32>,
    return
  }
}

module attributes {stable_mosaic.version = 14 : i64} {
  func.func @body(%arg0: memref<2x10240x128xf32, #tpu.memory_space<vmem>>, %arg1: memref<2x80x128xf32, #tpu.memory_space<vmem>>, %arg2: memref<128x128xf32, #tpu.memory_space<vmem>>, %arg3: memref<1x128xf32, #tpu.memory_space<vmem>>, %arg4: memref<10240x128xf32, #tpu.memory_space<vmem>>) attributes {dimension_semantics = [], scalar_prefetch = 0 : i64, scratch_operands = 0 : i64, tpu.core_type = #tpu.core_type<tc>} {
    %get3A = arith.constant 0 : index
    %get3A_0 = arith.constant 0 : index
    %get3A_1 = arith.constant 0 : index
    %get3A_2 = vector.load %arg1[%get3A, %get3A_0, %get3A_1] : memref<2x80x128xf32, #tpu.memory_space<vmem>>, vector<2x80x128xf32>
    %slice3A = vector.extract_strided_slice %get3A_2 {offsets = [0, 0, 0], sizes = [1, 80, 128], strides = [1, 1, 1]} : vector<2x80x128xf32> to vector<1x80x128xf32>
    %squeeze3A = vector.shape_cast %slice3A : vector<1x80x128xf32> to vector<80x128xf32>
    %max3A = arith.constant 1.000000e+00 : f32
    %max3A_3 = vector.broadcast %max3A : f32 to vector<80x128xf32>
    %max3A_4 = arith.maximumf %squeeze3A, %max3A_3 : vector<80x128xf32>
    %rsqrt3A = math.rsqrt %max3A_4 : vector<80x128xf32>
    %slice3A_5 = vector.extract_strided_slice %get3A_2 {offsets = [1, 0, 0], sizes = [1, 80, 128], strides = [1, 1, 1]} : vector<2x80x128xf32> to vector<1x80x128xf32>
    %squeeze3A_6 = vector.shape_cast %slice3A_5 : vector<1x80x128xf32> to vector<80x128xf32>
    %max3A_7 = arith.constant 1.000000e+00 : f32
    %max3A_8 = vector.broadcast %max3A_7 : f32 to vector<80x128xf32>
    %max3A_9 = arith.maximumf %squeeze3A_6, %max3A_8 : vector<80x128xf32>
    %rsqrt3A_10 = math.rsqrt %max3A_9 : vector<80x128xf32>
    %get3A_11 = arith.constant 0 : index
    %get3A_12 = arith.constant 0 : index
    %get3A_13 = arith.constant 0 : index
    %get3A_14 = vector.load %arg0[%get3A_11, %get3A_12, %get3A_13] : memref<2x10240x128xf32, #tpu.memory_space<vmem>>, vector<2x10240x128xf32>
    %slice3A_15 = vector.extract_strided_slice %get3A_14 {offsets = [0, 0, 0], sizes = [1, 10240, 128], strides = [1, 1, 1]} : vector<2x10240x128xf32> to vector<1x10240x128xf32>
    %squeeze3A_16 = vector.shape_cast %slice3A_15 : vector<1x10240x128xf32> to vector<10240x128xf32>
    %slice3A_17 = vector.extract_strided_slice %get3A_14 {offsets = [1, 0, 0], sizes = [1, 10240, 128], strides = [1, 1, 1]} : vector<2x10240x128xf32> to vector<1x10240x128xf32>
    %squeeze3A_18 = vector.shape_cast %slice3A_17 : vector<1x10240x128xf32> to vector<10240x128xf32>
    %add3A = arith.addf %squeeze3A_16, %squeeze3A_18 : vector<10240x128xf32>
    %reshape3A = vector.shape_cast %add3A : vector<10240x128xf32> to vector<80x128x128xf32>
    %broadcast_in_dim3A = vector.shape_cast %rsqrt3A_10 : vector<80x128xf32> to vector<80x128x1xf32>
    %mul3A = vector.broadcast %broadcast_in_dim3A : vector<80x128x1xf32> to vector<80x128x128xf32>
    %mul3A_19 = arith.mulf %reshape3A, %mul3A : vector<80x128x128xf32>
    %reshape3A_20 = vector.shape_cast %mul3A_19 : vector<80x128x128xf32> to vector<10240x128xf32>
    %get3A_21 = arith.constant 0 : index
    %get3A_22 = arith.constant 0 : index
    %get3A_23 = vector.load %arg2[%get3A_21, %get3A_22] : memref<128x128xf32, #tpu.memory_space<vmem>>, vector<128x128xf32>
    %dot_general3A = arith.constant dense<0.000000e+00> : vector<10240x128xf32>
    %dot_general3A_24 = tpu.matmul %reshape3A_20, %get3A_23, %dot_general3A {dimension_numbers = #tpu.dot_dimension_numbers<[1], [0], [0], [1], [0, 0, 1, 1], [], []>, transpose_lhs_hint = false} : vector<10240x128xf32>, vector<128x128xf32>, vector<10240x128xf32> -> vector<10240x128xf32>
    %get3A_25 = arith.constant 0 : index
    %get3A_26 = arith.constant 0 : index
    %get3A_27 = vector.load %arg3[%get3A_25, %get3A_26] : memref<1x128xf32, #tpu.memory_space<vmem>>, vector<1x128xf32>
    %add3A_28 = vector.broadcast %get3A_27 : vector<1x128xf32> to vector<10240x128xf32>
    %add3A_29 = arith.addf %dot_general3A_24, %add3A_28 : vector<10240x128xf32>
    %max3A_30 = arith.constant 0.000000e+00 : f32
    %max3A_31 = vector.broadcast %max3A_30 : f32 to vector<10240x128xf32>
    %max3A_32 = arith.maximumf %add3A_29, %max3A_31 : vector<10240x128xf32>
    %reshape3A_33 = vector.shape_cast %max3A_32 : vector<10240x128xf32> to vector<80x128x128xf32>
    %broadcast_in_dim3A_34 = vector.shape_cast %rsqrt3A : vector<80x128xf32> to vector<80x128x1xf32>
    %mul3A_35 = vector.broadcast %broadcast_in_dim3A_34 : vector<80x128x1xf32> to vector<80x128x128xf32>
    %mul3A_36 = arith.mulf %reshape3A_33, %mul3A_35 : vector<80x128x128xf32>
    %reshape3A_37 = vector.shape_cast %mul3A_36 : vector<80x128x128xf32> to vector<10240x128xf32>
    %swap3A = arith.constant 0 : index
    %swap3A_38 = arith.constant 0 : index
    %swap3A_39 = vector.load %arg4[%swap3A, %swap3A_38] : memref<10240x128xf32, #tpu.memory_space<vmem>>, vector<10240x128xf32>
    tpu.vector_store %arg4[%swap3A, %swap3A_38], %reshape3A_37 {strides = array<i32>} : memref<10240x128xf32, #tpu.memory_space<vmem>>, vector<10240x128xf32>,
    return
  }
}

module attributes {stable_mosaic.version = 14 : i64} {
  func.func @body(%arg0: memref<2x10240x128xf32, #tpu.memory_space<vmem>>, %arg1: memref<2x80x128xf32, #tpu.memory_space<vmem>>, %arg2: memref<128x128xf32, #tpu.memory_space<vmem>>, %arg3: memref<1x128xf32, #tpu.memory_space<vmem>>, %arg4: memref<2000x1xf32, #tpu.memory_space<vmem>>, %arg5: memref<1x128xf32, #tpu.memory_space<vmem>>, %arg6: memref<1x128xf32, #tpu.memory_space<vmem>>, %arg7: memref<128x128xf32, #tpu.memory_space<vmem>>, %arg8: memref<1x128xf32, #tpu.memory_space<vmem>>, %arg9: memref<128x128xf32, #tpu.memory_space<vmem>>, %arg10: memref<1x128xf32, #tpu.memory_space<vmem>>, %arg11: memref<128x128xf32, #tpu.memory_space<vmem>>, %arg12: memref<1x128xf32, #tpu.memory_space<vmem>>, %arg13: memref<128x128xf32, #tpu.memory_space<vmem>>, %arg14: memref<1x128xf32, #tpu.memory_space<vmem>>, %arg15: memref<128x128xf32, #tpu.memory_space<vmem>>, %arg16: memref<1x128xf32, #tpu.memory_space<vmem>>, %arg17: memref<128x128xf32, #tpu.memory_space<vmem>>, %arg18: memref<1x128xf32, #tpu.memory_space<vmem>>, %arg19: memref<128x128xf32, #tpu.memory_space<vmem>>, %arg20: memref<1x128xf32, #tpu.memory_space<vmem>>, %arg21: memref<128x128xf32, #tpu.memory_space<vmem>>, %arg22: memref<1x128xf32, #tpu.memory_space<vmem>>, %arg23: memref<256x256xf32, #tpu.memory_space<vmem>>, %arg24: memref<1x256xf32, #tpu.memory_space<vmem>>, %arg25: memref<256x128xf32, #tpu.memory_space<vmem>>, %arg26: memref<1x128xf32, #tpu.memory_space<vmem>>, %arg27: memref<128x128xf32, #tpu.memory_space<vmem>>, %arg28: memref<1x128xf32, #tpu.memory_space<vmem>>, %arg29: memref<2000x128xf32, #tpu.memory_space<vmem>>) attributes {dimension_semantics = [], scalar_prefetch = 0 : i64, scratch_operands = 0 : i64, tpu.core_type = #tpu.core_type<tc>} {
    %get3A = arith.constant 0 : index
    %get3A_0 = arith.constant 0 : index
    %get3A_1 = arith.constant 0 : index
    %get3A_2 = vector.load %arg1[%get3A, %get3A_0, %get3A_1] : memref<2x80x128xf32, #tpu.memory_space<vmem>>, vector<2x80x128xf32>
    %slice3A = vector.extract_strided_slice %get3A_2 {offsets = [1, 0, 0], sizes = [1, 80, 128], strides = [1, 1, 1]} : vector<2x80x128xf32> to vector<1x80x128xf32>
    %squeeze3A = vector.shape_cast %slice3A : vector<1x80x128xf32> to vector<80x128xf32>
    %max3A = arith.constant 1.000000e+00 : f32
    %max3A_3 = vector.broadcast %max3A : f32 to vector<80x128xf32>
    %max3A_4 = arith.maximumf %squeeze3A, %max3A_3 : vector<80x128xf32>
    %rsqrt3A = math.rsqrt %max3A_4 : vector<80x128xf32>
    %get3A_5 = arith.constant 0 : index
    %get3A_6 = arith.constant 0 : index
    %get3A_7 = arith.constant 0 : index
    %get3A_8 = vector.load %arg0[%get3A_5, %get3A_6, %get3A_7] : memref<2x10240x128xf32, #tpu.memory_space<vmem>>, vector<2x10240x128xf32>
    %slice3A_9 = vector.extract_strided_slice %get3A_8 {offsets = [0, 0, 0], sizes = [1, 10240, 128], strides = [1, 1, 1]} : vector<2x10240x128xf32> to vector<1x10240x128xf32>
    %squeeze3A_10 = vector.shape_cast %slice3A_9 : vector<1x10240x128xf32> to vector<10240x128xf32>
    %slice3A_11 = vector.extract_strided_slice %get3A_8 {offsets = [1, 0, 0], sizes = [1, 10240, 128], strides = [1, 1, 1]} : vector<2x10240x128xf32> to vector<1x10240x128xf32>
    %squeeze3A_12 = vector.shape_cast %slice3A_11 : vector<1x10240x128xf32> to vector<10240x128xf32>
    %add3A = arith.addf %squeeze3A_10, %squeeze3A_12 : vector<10240x128xf32>
    %reshape3A = vector.shape_cast %add3A : vector<10240x128xf32> to vector<80x128x128xf32>
    %broadcast_in_dim3A = vector.shape_cast %rsqrt3A : vector<80x128xf32> to vector<80x128x1xf32>
    %mul3A = vector.broadcast %broadcast_in_dim3A : vector<80x128x1xf32> to vector<80x128x128xf32>
    %mul3A_13 = arith.mulf %reshape3A, %mul3A : vector<80x128x128xf32>
    %reshape3A_14 = vector.shape_cast %mul3A_13 : vector<80x128x128xf32> to vector<10240x128xf32>
    %get3A_15 = arith.constant 0 : index
    %get3A_16 = arith.constant 0 : index
    %get3A_17 = vector.load %arg2[%get3A_15, %get3A_16] : memref<128x128xf32, #tpu.memory_space<vmem>>, vector<128x128xf32>
    %dot_general3A = arith.constant dense<0.000000e+00> : vector<10240x128xf32>
    %dot_general3A_18 = tpu.matmul %reshape3A_14, %get3A_17, %dot_general3A {dimension_numbers = #tpu.dot_dimension_numbers<[1], [0], [0], [1], [0, 0, 1, 1], [], []>, transpose_lhs_hint = false} : vector<10240x128xf32>, vector<128x128xf32>, vector<10240x128xf32> -> vector<10240x128xf32>
    %get3A_19 = arith.constant 0 : index
    %get3A_20 = arith.constant 0 : index
    %get3A_21 = vector.load %arg3[%get3A_19, %get3A_20] : memref<1x128xf32, #tpu.memory_space<vmem>>, vector<1x128xf32>
    %add3A_22 = vector.broadcast %get3A_21 : vector<1x128xf32> to vector<10240x128xf32>
    %add3A_23 = arith.addf %dot_general3A_18, %add3A_22 : vector<10240x128xf32>
    %max3A_24 = arith.constant 0.000000e+00 : f32
    %max3A_25 = vector.broadcast %max3A_24 : f32 to vector<10240x128xf32>
    %max3A_26 = arith.maximumf %add3A_23, %max3A_25 : vector<10240x128xf32>
    %slice3A_27 = vector.extract_strided_slice %max3A_26 {offsets = [0, 0], sizes = [10000, 128], strides = [1, 1]} : vector<10240x128xf32> to vector<10000x128xf32>
    %get3A_28 = arith.constant 0 : index
    %get3A_29 = arith.constant 0 : index
    %get3A_30 = vector.load %arg7[%get3A_28, %get3A_29] : memref<128x128xf32, #tpu.memory_space<vmem>>, vector<128x128xf32>
    %dot_general3A_31 = arith.constant dense<0.000000e+00> : vector<10000x128xf32>
    %dot_general3A_32 = tpu.matmul %slice3A_27, %get3A_30, %dot_general3A_31 {dimension_numbers = #tpu.dot_dimension_numbers<[1], [0], [0], [1], [0, 0, 1, 1], [], []>, transpose_lhs_hint = false} : vector<10000x128xf32>, vector<128x128xf32>, vector<10000x128xf32> -> vector<10000x128xf32>
    %get3A_33 = arith.constant 0 : index
    %get3A_34 = arith.constant 0 : index
    %get3A_35 = vector.load %arg8[%get3A_33, %get3A_34] : memref<1x128xf32, #tpu.memory_space<vmem>>, vector<1x128xf32>
    %add3A_36 = vector.broadcast %get3A_35 : vector<1x128xf32> to vector<10000x128xf32>
    %add3A_37 = arith.addf %dot_general3A_32, %add3A_36 : vector<10000x128xf32>
    %get3A_38 = arith.constant 0 : index
    %get3A_39 = arith.constant 0 : index
    %get3A_40 = vector.load %arg9[%get3A_38, %get3A_39] : memref<128x128xf32, #tpu.memory_space<vmem>>, vector<128x128xf32>
    %dot_general3A_41 = arith.constant dense<0.000000e+00> : vector<10000x128xf32>
    %dot_general3A_42 = tpu.matmul %add3A_37, %get3A_40, %dot_general3A_41 {dimension_numbers = #tpu.dot_dimension_numbers<[1], [0], [0], [1], [0, 0, 1, 1], [], []>, transpose_lhs_hint = false} : vector<10000x128xf32>, vector<128x128xf32>, vector<10000x128xf32> -> vector<10000x128xf32>
    %get3A_43 = arith.constant 0 : index
    %get3A_44 = arith.constant 0 : index
    %get3A_45 = vector.load %arg10[%get3A_43, %get3A_44] : memref<1x128xf32, #tpu.memory_space<vmem>>, vector<1x128xf32>
    %add3A_46 = vector.broadcast %get3A_45 : vector<1x128xf32> to vector<10000x128xf32>
    %add3A_47 = arith.addf %dot_general3A_42, %add3A_46 : vector<10000x128xf32>
    %reshape3A_48 = vector.shape_cast %slice3A_27 : vector<10000x128xf32> to vector<200x50x128xf32>
    %reduce_sum3A = arith.constant dense<0.000000e+00> : vector<200x128xf32>
    %reduce_sum3A_49 = vector.multi_reduction <add>, %reshape3A_48, %reduce_sum3A [1] : vector<200x50x128xf32> to vector<200x128xf32>
    %div3A = arith.constant 5.000000e+01 : f32
    %div3A_50 = vector.broadcast %div3A : f32 to vector<200x128xf32>
    %div3A_51 = arith.divf %reduce_sum3A_49, %div3A_50 : vector<200x128xf32>
    %get3A_52 = arith.constant 0 : index
    %get3A_53 = arith.constant 0 : index
    %get3A_54 = vector.load %arg4[%get3A_52, %get3A_53] : memref<2000x1xf32, #tpu.memory_space<vmem>>, vector<2000x1xf32>
    %get3A_55 = arith.constant 0 : index
    %get3A_56 = arith.constant 0 : index
    %get3A_57 = vector.load %arg5[%get3A_55, %get3A_56] : memref<1x128xf32, #tpu.memory_space<vmem>>, vector<1x128xf32>
    %mul3A_58 = vector.broadcast %get3A_54 : vector<2000x1xf32> to vector<2000x128xf32>
    %mul3A_59 = vector.broadcast %get3A_57 : vector<1x128xf32> to vector<2000x128xf32>
    %mul3A_60 = arith.mulf %mul3A_58, %mul3A_59 : vector<2000x128xf32>
    %get3A_61 = arith.constant 0 : index
    %get3A_62 = arith.constant 0 : index
    %get3A_63 = vector.load %arg6[%get3A_61, %get3A_62] : memref<1x128xf32, #tpu.memory_space<vmem>>, vector<1x128xf32>
    %add3A_64 = vector.broadcast %get3A_63 : vector<1x128xf32> to vector<2000x128xf32>
    %add3A_65 = arith.addf %mul3A_60, %add3A_64 : vector<2000x128xf32>
    %get3A_66 = arith.constant 0 : index
    %get3A_67 = arith.constant 0 : index
    %get3A_68 = vector.load %arg11[%get3A_66, %get3A_67] : memref<128x128xf32, #tpu.memory_space<vmem>>, vector<128x128xf32>
    %dot_general3A_69 = arith.constant dense<0.000000e+00> : vector<2000x128xf32>
    %dot_general3A_70 = tpu.matmul %add3A_65, %get3A_68, %dot_general3A_69 {dimension_numbers = #tpu.dot_dimension_numbers<[1], [0], [0], [1], [0, 0, 1, 1], [], []>, transpose_lhs_hint = false} : vector<2000x128xf32>, vector<128x128xf32>, vector<2000x128xf32> -> vector<2000x128xf32>
    %get3A_71 = arith.constant 0 : index
    %get3A_72 = arith.constant 0 : index
    %get3A_73 = vector.load %arg12[%get3A_71, %get3A_72] : memref<1x128xf32, #tpu.memory_space<vmem>>, vector<1x128xf32>
    %add3A_74 = vector.broadcast %get3A_73 : vector<1x128xf32> to vector<2000x128xf32>
    %add3A_75 = arith.addf %dot_general3A_70, %add3A_74 : vector<2000x128xf32>
    %get3A_76 = arith.constant 0 : index
    %get3A_77 = arith.constant 0 : index
    %get3A_78 = vector.load %arg13[%get3A_76, %get3A_77] : memref<128x128xf32, #tpu.memory_space<vmem>>, vector<128x128xf32>
    %dot_general3A_79 = arith.constant dense<0.000000e+00> : vector<2000x128xf32>
    %dot_general3A_80 = tpu.matmul %add3A_75, %get3A_78, %dot_general3A_79 {dimension_numbers = #tpu.dot_dimension_numbers<[1], [0], [0], [1], [0, 0, 1, 1], [], []>, transpose_lhs_hint = false} : vector<2000x128xf32>, vector<128x128xf32>, vector<2000x128xf32> -> vector<2000x128xf32>
    %get3A_81 = arith.constant 0 : index
    %get3A_82 = arith.constant 0 : index
    %get3A_83 = vector.load %arg14[%get3A_81, %get3A_82] : memref<1x128xf32, #tpu.memory_space<vmem>>, vector<1x128xf32>
    %add3A_84 = vector.broadcast %get3A_83 : vector<1x128xf32> to vector<2000x128xf32>
    %add3A_85 = arith.addf %dot_general3A_80, %add3A_84 : vector<2000x128xf32>
    %reshape3A_86 = vector.shape_cast %add3A_47 : vector<10000x128xf32> to vector<200x50x128xf32>
    %reshape3A_87 = vector.shape_cast %add3A_85 : vector<2000x128xf32> to vector<200x10x128xf32>
    %slice3A_88 = vector.extract_strided_slice %reshape3A_87 {offsets = [0, 0, 0], sizes = [200, 1, 128], strides = [1, 1, 1]} : vector<200x10x128xf32> to vector<200x1x128xf32>
    %squeeze3A_89 = vector.shape_cast %slice3A_88 : vector<200x1x128xf32> to vector<200x128xf32>
    %broadcast_in_dim3A_90 = vector.shape_cast %squeeze3A_89 : vector<200x128xf32> to vector<200x1x128xf32>
    %add3A_91 = vector.broadcast %broadcast_in_dim3A_90 : vector<200x1x128xf32> to vector<200x50x128xf32>
    %add3A_92 = arith.addf %reshape3A_86, %add3A_91 : vector<200x50x128xf32>
    %max3A_93 = arith.constant 0.000000e+00 : f32
    %max3A_94 = vector.broadcast %max3A_93 : f32 to vector<200x50x128xf32>
    %max3A_95 = arith.maximumf %add3A_92, %max3A_94 : vector<200x50x128xf32>
    %reduce_sum3A_96 = arith.constant dense<0.000000e+00> : vector<200x128xf32>
    %reduce_sum3A_97 = vector.multi_reduction <add>, %max3A_95, %reduce_sum3A_96 [1] : vector<200x50x128xf32> to vector<200x128xf32>
    %mul3A_98 = arith.constant 2.000000e-02 : f32
    %mul3A_99 = vector.broadcast %mul3A_98 : f32 to vector<200x128xf32>
    %mul3A_100 = arith.mulf %reduce_sum3A_97, %mul3A_99 : vector<200x128xf32>
    %add3A_101 = arith.addf %div3A_51, %mul3A_100 : vector<200x128xf32>
    %slice3A_102 = vector.extract_strided_slice %reshape3A_87 {offsets = [0, 1, 0], sizes = [200, 1, 128], strides = [1, 1, 1]} : vector<200x10x128xf32> to vector<200x1x128xf32>
    %squeeze3A_103 = vector.shape_cast %slice3A_102 : vector<200x1x128xf32> to vector<200x128xf32>
    %broadcast_in_dim3A_104 = vector.shape_cast %squeeze3A_103 : vector<200x128xf32> to vector<200x1x128xf32>
    %add3A_105 = vector.broadcast %broadcast_in_dim3A_104 : vector<200x1x128xf32> to vector<200x50x128xf32>
    %add3A_106 = arith.addf %reshape3A_86, %add3A_105 : vector<200x50x128xf32>
    %max3A_107 = arith.constant 0.000000e+00 : f32
    %max3A_108 = vector.broadcast %max3A_107 : f32 to vector<200x50x128xf32>
    %max3A_109 = arith.maximumf %add3A_106, %max3A_108 : vector<200x50x128xf32>
    %reduce_sum3A_110 = arith.constant dense<0.000000e+00> : vector<200x128xf32>
    %reduce_sum3A_111 = vector.multi_reduction <add>, %max3A_109, %reduce_sum3A_110 [1] : vector<200x50x128xf32> to vector<200x128xf32>
    %mul3A_112 = arith.constant 2.000000e-02 : f32
    %mul3A_113 = vector.broadcast %mul3A_112 : f32 to vector<200x128xf32>
    %mul3A_114 = arith.mulf %reduce_sum3A_111, %mul3A_113 : vector<200x128xf32>
    %add3A_115 = arith.addf %div3A_51, %mul3A_114 : vector<200x128xf32>
    %slice3A_116 = vector.extract_strided_slice %reshape3A_87 {offsets = [0, 2, 0], sizes = [200, 1, 128], strides = [1, 1, 1]} : vector<200x10x128xf32> to vector<200x1x128xf32>
    %squeeze3A_117 = vector.shape_cast %slice3A_116 : vector<200x1x128xf32> to vector<200x128xf32>
    %broadcast_in_dim3A_118 = vector.shape_cast %squeeze3A_117 : vector<200x128xf32> to vector<200x1x128xf32>
    %add3A_119 = vector.broadcast %broadcast_in_dim3A_118 : vector<200x1x128xf32> to vector<200x50x128xf32>
    %add3A_120 = arith.addf %reshape3A_86, %add3A_119 : vector<200x50x128xf32>
    %max3A_121 = arith.constant 0.000000e+00 : f32
    %max3A_122 = vector.broadcast %max3A_121 : f32 to vector<200x50x128xf32>
    %max3A_123 = arith.maximumf %add3A_120, %max3A_122 : vector<200x50x128xf32>
    %reduce_sum3A_124 = arith.constant dense<0.000000e+00> : vector<200x128xf32>
    %reduce_sum3A_125 = vector.multi_reduction <add>, %max3A_123, %reduce_sum3A_124 [1] : vector<200x50x128xf32> to vector<200x128xf32>
    %mul3A_126 = arith.constant 2.000000e-02 : f32
    %mul3A_127 = vector.broadcast %mul3A_126 : f32 to vector<200x128xf32>
    %mul3A_128 = arith.mulf %reduce_sum3A_125, %mul3A_127 : vector<200x128xf32>
    %add3A_129 = arith.addf %div3A_51, %mul3A_128 : vector<200x128xf32>
    %slice3A_130 = vector.extract_strided_slice %reshape3A_87 {offsets = [0, 3, 0], sizes = [200, 1, 128], strides = [1, 1, 1]} : vector<200x10x128xf32> to vector<200x1x128xf32>
    %squeeze3A_131 = vector.shape_cast %slice3A_130 : vector<200x1x128xf32> to vector<200x128xf32>
    %broadcast_in_dim3A_132 = vector.shape_cast %squeeze3A_131 : vector<200x128xf32> to vector<200x1x128xf32>
    %add3A_133 = vector.broadcast %broadcast_in_dim3A_132 : vector<200x1x128xf32> to vector<200x50x128xf32>
    %add3A_134 = arith.addf %reshape3A_86, %add3A_133 : vector<200x50x128xf32>
    %max3A_135 = arith.constant 0.000000e+00 : f32
    %max3A_136 = vector.broadcast %max3A_135 : f32 to vector<200x50x128xf32>
    %max3A_137 = arith.maximumf %add3A_134, %max3A_136 : vector<200x50x128xf32>
    %reduce_sum3A_138 = arith.constant dense<0.000000e+00> : vector<200x128xf32>
    %reduce_sum3A_139 = vector.multi_reduction <add>, %max3A_137, %reduce_sum3A_138 [1] : vector<200x50x128xf32> to vector<200x128xf32>
    %mul3A_140 = arith.constant 2.000000e-02 : f32
    %mul3A_141 = vector.broadcast %mul3A_140 : f32 to vector<200x128xf32>
    %mul3A_142 = arith.mulf %reduce_sum3A_139, %mul3A_141 : vector<200x128xf32>
    %add3A_143 = arith.addf %div3A_51, %mul3A_142 : vector<200x128xf32>
    %slice3A_144 = vector.extract_strided_slice %reshape3A_87 {offsets = [0, 4, 0], sizes = [200, 1, 128], strides = [1, 1, 1]} : vector<200x10x128xf32> to vector<200x1x128xf32>
    %squeeze3A_145 = vector.shape_cast %slice3A_144 : vector<200x1x128xf32> to vector<200x128xf32>
    %broadcast_in_dim3A_146 = vector.shape_cast %squeeze3A_145 : vector<200x128xf32> to vector<200x1x128xf32>
    %add3A_147 = vector.broadcast %broadcast_in_dim3A_146 : vector<200x1x128xf32> to vector<200x50x128xf32>
    %add3A_148 = arith.addf %reshape3A_86, %add3A_147 : vector<200x50x128xf32>
    %max3A_149 = arith.constant 0.000000e+00 : f32
    %max3A_150 = vector.broadcast %max3A_149 : f32 to vector<200x50x128xf32>
    %max3A_151 = arith.maximumf %add3A_148, %max3A_150 : vector<200x50x128xf32>
    %reduce_sum3A_152 = arith.constant dense<0.000000e+00> : vector<200x128xf32>
    %reduce_sum3A_153 = vector.multi_reduction <add>, %max3A_151, %reduce_sum3A_152 [1] : vector<200x50x128xf32> to vector<200x128xf32>
    %mul3A_154 = arith.constant 2.000000e-02 : f32
    %mul3A_155 = vector.broadcast %mul3A_154 : f32 to vector<200x128xf32>
    %mul3A_156 = arith.mulf %reduce_sum3A_153, %mul3A_155 : vector<200x128xf32>
    %add3A_157 = arith.addf %div3A_51, %mul3A_156 : vector<200x128xf32>
    %slice3A_158 = vector.extract_strided_slice %reshape3A_87 {offsets = [0, 5, 0], sizes = [200, 1, 128], strides = [1, 1, 1]} : vector<200x10x128xf32> to vector<200x1x128xf32>
    %squeeze3A_159 = vector.shape_cast %slice3A_158 : vector<200x1x128xf32> to vector<200x128xf32>
    %broadcast_in_dim3A_160 = vector.shape_cast %squeeze3A_159 : vector<200x128xf32> to vector<200x1x128xf32>
    %add3A_161 = vector.broadcast %broadcast_in_dim3A_160 : vector<200x1x128xf32> to vector<200x50x128xf32>
    %add3A_162 = arith.addf %reshape3A_86, %add3A_161 : vector<200x50x128xf32>
    %max3A_163 = arith.constant 0.000000e+00 : f32
    %max3A_164 = vector.broadcast %max3A_163 : f32 to vector<200x50x128xf32>
    %max3A_165 = arith.maximumf %add3A_162, %max3A_164 : vector<200x50x128xf32>
    %reduce_sum3A_166 = arith.constant dense<0.000000e+00> : vector<200x128xf32>
    %reduce_sum3A_167 = vector.multi_reduction <add>, %max3A_165, %reduce_sum3A_166 [1] : vector<200x50x128xf32> to vector<200x128xf32>
    %mul3A_168 = arith.constant 2.000000e-02 : f32
    %mul3A_169 = vector.broadcast %mul3A_168 : f32 to vector<200x128xf32>
    %mul3A_170 = arith.mulf %reduce_sum3A_167, %mul3A_169 : vector<200x128xf32>
    %add3A_171 = arith.addf %div3A_51, %mul3A_170 : vector<200x128xf32>
    %slice3A_172 = vector.extract_strided_slice %reshape3A_87 {offsets = [0, 6, 0], sizes = [200, 1, 128], strides = [1, 1, 1]} : vector<200x10x128xf32> to vector<200x1x128xf32>
    %squeeze3A_173 = vector.shape_cast %slice3A_172 : vector<200x1x128xf32> to vector<200x128xf32>
    %broadcast_in_dim3A_174 = vector.shape_cast %squeeze3A_173 : vector<200x128xf32> to vector<200x1x128xf32>
    %add3A_175 = vector.broadcast %broadcast_in_dim3A_174 : vector<200x1x128xf32> to vector<200x50x128xf32>
    %add3A_176 = arith.addf %reshape3A_86, %add3A_175 : vector<200x50x128xf32>
    %max3A_177 = arith.constant 0.000000e+00 : f32
    %max3A_178 = vector.broadcast %max3A_177 : f32 to vector<200x50x128xf32>
    %max3A_179 = arith.maximumf %add3A_176, %max3A_178 : vector<200x50x128xf32>
    %reduce_sum3A_180 = arith.constant dense<0.000000e+00> : vector<200x128xf32>
    %reduce_sum3A_181 = vector.multi_reduction <add>, %max3A_179, %reduce_sum3A_180 [1] : vector<200x50x128xf32> to vector<200x128xf32>
    %mul3A_182 = arith.constant 2.000000e-02 : f32
    %mul3A_183 = vector.broadcast %mul3A_182 : f32 to vector<200x128xf32>
    %mul3A_184 = arith.mulf %reduce_sum3A_181, %mul3A_183 : vector<200x128xf32>
    %add3A_185 = arith.addf %div3A_51, %mul3A_184 : vector<200x128xf32>
    %slice3A_186 = vector.extract_strided_slice %reshape3A_87 {offsets = [0, 7, 0], sizes = [200, 1, 128], strides = [1, 1, 1]} : vector<200x10x128xf32> to vector<200x1x128xf32>
    %squeeze3A_187 = vector.shape_cast %slice3A_186 : vector<200x1x128xf32> to vector<200x128xf32>
    %broadcast_in_dim3A_188 = vector.shape_cast %squeeze3A_187 : vector<200x128xf32> to vector<200x1x128xf32>
    %add3A_189 = vector.broadcast %broadcast_in_dim3A_188 : vector<200x1x128xf32> to vector<200x50x128xf32>
    %add3A_190 = arith.addf %reshape3A_86, %add3A_189 : vector<200x50x128xf32>
    %max3A_191 = arith.constant 0.000000e+00 : f32
    %max3A_192 = vector.broadcast %max3A_191 : f32 to vector<200x50x128xf32>
    %max3A_193 = arith.maximumf %add3A_190, %max3A_192 : vector<200x50x128xf32>
    %reduce_sum3A_194 = arith.constant dense<0.000000e+00> : vector<200x128xf32>
    %reduce_sum3A_195 = vector.multi_reduction <add>, %max3A_193, %reduce_sum3A_194 [1] : vector<200x50x128xf32> to vector<200x128xf32>
    %mul3A_196 = arith.constant 2.000000e-02 : f32
    %mul3A_197 = vector.broadcast %mul3A_196 : f32 to vector<200x128xf32>
    %mul3A_198 = arith.mulf %reduce_sum3A_195, %mul3A_197 : vector<200x128xf32>
    %add3A_199 = arith.addf %div3A_51, %mul3A_198 : vector<200x128xf32>
    %slice3A_200 = vector.extract_strided_slice %reshape3A_87 {offsets = [0, 8, 0], sizes = [200, 1, 128], strides = [1, 1, 1]} : vector<200x10x128xf32> to vector<200x1x128xf32>
    %squeeze3A_201 = vector.shape_cast %slice3A_200 : vector<200x1x128xf32> to vector<200x128xf32>
    %broadcast_in_dim3A_202 = vector.shape_cast %squeeze3A_201 : vector<200x128xf32> to vector<200x1x128xf32>
    %add3A_203 = vector.broadcast %broadcast_in_dim3A_202 : vector<200x1x128xf32> to vector<200x50x128xf32>
    %add3A_204 = arith.addf %reshape3A_86, %add3A_203 : vector<200x50x128xf32>
    %max3A_205 = arith.constant 0.000000e+00 : f32
    %max3A_206 = vector.broadcast %max3A_205 : f32 to vector<200x50x128xf32>
    %max3A_207 = arith.maximumf %add3A_204, %max3A_206 : vector<200x50x128xf32>
    %reduce_sum3A_208 = arith.constant dense<0.000000e+00> : vector<200x128xf32>
    %reduce_sum3A_209 = vector.multi_reduction <add>, %max3A_207, %reduce_sum3A_208 [1] : vector<200x50x128xf32> to vector<200x128xf32>
    %mul3A_210 = arith.constant 2.000000e-02 : f32
    %mul3A_211 = vector.broadcast %mul3A_210 : f32 to vector<200x128xf32>
    %mul3A_212 = arith.mulf %reduce_sum3A_209, %mul3A_211 : vector<200x128xf32>
    %add3A_213 = arith.addf %div3A_51, %mul3A_212 : vector<200x128xf32>
    %slice3A_214 = vector.extract_strided_slice %reshape3A_87 {offsets = [0, 9, 0], sizes = [200, 1, 128], strides = [1, 1, 1]} : vector<200x10x128xf32> to vector<200x1x128xf32>
    %squeeze3A_215 = vector.shape_cast %slice3A_214 : vector<200x1x128xf32> to vector<200x128xf32>
    %broadcast_in_dim3A_216 = vector.shape_cast %squeeze3A_215 : vector<200x128xf32> to vector<200x1x128xf32>
    %add3A_217 = vector.broadcast %broadcast_in_dim3A_216 : vector<200x1x128xf32> to vector<200x50x128xf32>
    %add3A_218 = arith.addf %reshape3A_86, %add3A_217 : vector<200x50x128xf32>
    %max3A_219 = arith.constant 0.000000e+00 : f32
    %max3A_220 = vector.broadcast %max3A_219 : f32 to vector<200x50x128xf32>
    %max3A_221 = arith.maximumf %add3A_218, %max3A_220 : vector<200x50x128xf32>
    %reduce_sum3A_222 = arith.constant dense<0.000000e+00> : vector<200x128xf32>
    %reduce_sum3A_223 = vector.multi_reduction <add>, %max3A_221, %reduce_sum3A_222 [1] : vector<200x50x128xf32> to vector<200x128xf32>
    %mul3A_224 = arith.constant 2.000000e-02 : f32
    %mul3A_225 = vector.broadcast %mul3A_224 : f32 to vector<200x128xf32>
    %mul3A_226 = arith.mulf %reduce_sum3A_223, %mul3A_225 : vector<200x128xf32>
    %add3A_227 = arith.addf %div3A_51, %mul3A_226 : vector<200x128xf32>
    %stack3A = vector.shape_cast %add3A_101 : vector<200x128xf32> to vector<200x1x128xf32>
    %stack3A_228 = vector.shape_cast %add3A_115 : vector<200x128xf32> to vector<200x1x128xf32>
    %stack3A_229 = vector.shape_cast %add3A_129 : vector<200x128xf32> to vector<200x1x128xf32>
    %stack3A_230 = vector.shape_cast %add3A_143 : vector<200x128xf32> to vector<200x1x128xf32>
    %stack3A_231 = vector.shape_cast %add3A_157 : vector<200x128xf32> to vector<200x1x128xf32>
    %stack3A_232 = vector.shape_cast %add3A_171 : vector<200x128xf32> to vector<200x1x128xf32>
    %stack3A_233 = vector.shape_cast %add3A_185 : vector<200x128xf32> to vector<200x1x128xf32>
    %stack3A_234 = vector.shape_cast %add3A_199 : vector<200x128xf32> to vector<200x1x128xf32>
    %stack3A_235 = vector.shape_cast %add3A_213 : vector<200x128xf32> to vector<200x1x128xf32>
    %stack3A_236 = vector.shape_cast %add3A_227 : vector<200x128xf32> to vector<200x1x128xf32>
    %stack3A_237 = tpu.concatenate %stack3A, %stack3A_228, %stack3A_229, %stack3A_230, %stack3A_231, %stack3A_232, %stack3A_233, %stack3A_234, %stack3A_235, %stack3A_236 in 1 : vector<200x1x128xf32>, vector<200x1x128xf32>, vector<200x1x128xf32>, vector<200x1x128xf32>, vector<200x1x128xf32>, vector<200x1x128xf32>, vector<200x1x128xf32>, vector<200x1x128xf32>, vector<200x1x128xf32>, vector<200x1x128xf32> -> vector<200x10x128xf32>
    %reshape3A_238 = vector.shape_cast %stack3A_237 : vector<200x10x128xf32> to vector<2000x128xf32>
    %get3A_239 = arith.constant 0 : index
    %get3A_240 = arith.constant 0 : index
    %get3A_241 = vector.load %arg15[%get3A_239, %get3A_240] : memref<128x128xf32, #tpu.memory_space<vmem>>, vector<128x128xf32>
    %dot_general3A_242 = arith.constant dense<0.000000e+00> : vector<2000x128xf32>
    %dot_general3A_243 = tpu.matmul %reshape3A_238, %get3A_241, %dot_general3A_242 {dimension_numbers = #tpu.dot_dimension_numbers<[1], [0], [0], [1], [0, 0, 1, 1], [], []>, transpose_lhs_hint = false} : vector<2000x128xf32>, vector<128x128xf32>, vector<2000x128xf32> -> vector<2000x128xf32>
    %get3A_244 = arith.constant 0 : index
    %get3A_245 = arith.constant 0 : index
    %get3A_246 = vector.load %arg16[%get3A_244, %get3A_245] : memref<1x128xf32, #tpu.memory_space<vmem>>, vector<1x128xf32>
    %add3A_247 = vector.broadcast %get3A_246 : vector<1x128xf32> to vector<2000x128xf32>
    %add3A_248 = arith.addf %dot_general3A_243, %add3A_247 : vector<2000x128xf32>
    %get3A_249 = arith.constant 0 : index
    %get3A_250 = arith.constant 0 : index
    %get3A_251 = vector.load %arg17[%get3A_249, %get3A_250] : memref<128x128xf32, #tpu.memory_space<vmem>>, vector<128x128xf32>
    %dot_general3A_252 = arith.constant dense<0.000000e+00> : vector<2000x128xf32>
    %dot_general3A_253 = tpu.matmul %add3A_248, %get3A_251, %dot_general3A_252 {dimension_numbers = #tpu.dot_dimension_numbers<[1], [0], [0], [1], [0, 0, 1, 1], [], []>, transpose_lhs_hint = false} : vector<2000x128xf32>, vector<128x128xf32>, vector<2000x128xf32> -> vector<2000x128xf32>
    %get3A_254 = arith.constant 0 : index
    %get3A_255 = arith.constant 0 : index
    %get3A_256 = vector.load %arg18[%get3A_254, %get3A_255] : memref<1x128xf32, #tpu.memory_space<vmem>>, vector<1x128xf32>
    %add3A_257 = vector.broadcast %get3A_256 : vector<1x128xf32> to vector<2000x128xf32>
    %add3A_258 = arith.addf %dot_general3A_253, %add3A_257 : vector<2000x128xf32>
    %get3A_259 = arith.constant 0 : index
    %get3A_260 = arith.constant 0 : index
    %get3A_261 = vector.load %arg19[%get3A_259, %get3A_260] : memref<128x128xf32, #tpu.memory_space<vmem>>, vector<128x128xf32>
    %dot_general3A_262 = arith.constant dense<0.000000e+00> : vector<2000x128xf32>
    %dot_general3A_263 = tpu.matmul %add3A_65, %get3A_261, %dot_general3A_262 {dimension_numbers = #tpu.dot_dimension_numbers<[1], [0], [0], [1], [0, 0, 1, 1], [], []>, transpose_lhs_hint = false} : vector<2000x128xf32>, vector<128x128xf32>, vector<2000x128xf32> -> vector<2000x128xf32>
    %get3A_264 = arith.constant 0 : index
    %get3A_265 = arith.constant 0 : index
    %get3A_266 = vector.load %arg20[%get3A_264, %get3A_265] : memref<1x128xf32, #tpu.memory_space<vmem>>, vector<1x128xf32>
    %add3A_267 = vector.broadcast %get3A_266 : vector<1x128xf32> to vector<2000x128xf32>
    %add3A_268 = arith.addf %dot_general3A_263, %add3A_267 : vector<2000x128xf32>
    %get3A_269 = arith.constant 0 : index
    %get3A_270 = arith.constant 0 : index
    %get3A_271 = vector.load %arg21[%get3A_269, %get3A_270] : memref<128x128xf32, #tpu.memory_space<vmem>>, vector<128x128xf32>
    %dot_general3A_272 = arith.constant dense<0.000000e+00> : vector<2000x128xf32>
    %dot_general3A_273 = tpu.matmul %add3A_268, %get3A_271, %dot_general3A_272 {dimension_numbers = #tpu.dot_dimension_numbers<[1], [0], [0], [1], [0, 0, 1, 1], [], []>, transpose_lhs_hint = false} : vector<2000x128xf32>, vector<128x128xf32>, vector<2000x128xf32> -> vector<2000x128xf32>
    %get3A_274 = arith.constant 0 : index
    %get3A_275 = arith.constant 0 : index
    %get3A_276 = vector.load %arg22[%get3A_274, %get3A_275] : memref<1x128xf32, #tpu.memory_space<vmem>>, vector<1x128xf32>
    %add3A_277 = vector.broadcast %get3A_276 : vector<1x128xf32> to vector<2000x128xf32>
    %add3A_278 = arith.addf %dot_general3A_273, %add3A_277 : vector<2000x128xf32>
    %add3A_279 = arith.addf %add3A_258, %add3A_278 : vector<2000x128xf32>
    %max3A_280 = arith.constant 0.000000e+00 : f32
    %max3A_281 = vector.broadcast %max3A_280 : f32 to vector<2000x128xf32>
    %max3A_282 = arith.maximumf %add3A_279, %max3A_281 : vector<2000x128xf32>
    %add3A_283 = arith.addf %add3A_65, %max3A_282 : vector<2000x128xf32>
    %concatenate3A = tpu.concatenate %add3A_283, %reshape3A_238 in 1 : vector<2000x128xf32>, vector<2000x128xf32> -> vector<2000x256xf32>
    %get3A_284 = arith.constant 0 : index
    %get3A_285 = arith.constant 0 : index
    %get3A_286 = vector.load %arg23[%get3A_284, %get3A_285] : memref<256x256xf32, #tpu.memory_space<vmem>>, vector<256x256xf32>
    %dot_general3A_287 = arith.constant dense<0.000000e+00> : vector<2000x256xf32>
    %dot_general3A_288 = tpu.matmul %concatenate3A, %get3A_286, %dot_general3A_287 {dimension_numbers = #tpu.dot_dimension_numbers<[1], [0], [0], [1], [0, 0, 1, 1], [], []>, transpose_lhs_hint = false} : vector<2000x256xf32>, vector<256x256xf32>, vector<2000x256xf32> -> vector<2000x256xf32>
    %get3A_289 = arith.constant 0 : index
    %get3A_290 = arith.constant 0 : index
    %get3A_291 = vector.load %arg24[%get3A_289, %get3A_290] : memref<1x256xf32, #tpu.memory_space<vmem>>, vector<1x256xf32>
    %add3A_292 = vector.broadcast %get3A_291 : vector<1x256xf32> to vector<2000x256xf32>
    %add3A_293 = arith.addf %dot_general3A_288, %add3A_292 : vector<2000x256xf32>
    %max3A_294 = arith.constant 0.000000e+00 : f32
    %max3A_295 = vector.broadcast %max3A_294 : f32 to vector<2000x256xf32>
    %max3A_296 = arith.maximumf %add3A_293, %max3A_295 : vector<2000x256xf32>
    %get3A_297 = arith.constant 0 : index
    %get3A_298 = arith.constant 0 : index
    %get3A_299 = vector.load %arg25[%get3A_297, %get3A_298] : memref<256x128xf32, #tpu.memory_space<vmem>>, vector<256x128xf32>
    %dot_general3A_300 = arith.constant dense<0.000000e+00> : vector<2000x128xf32>
    %dot_general3A_301 = tpu.matmul %max3A_296, %get3A_299, %dot_general3A_300 {dimension_numbers = #tpu.dot_dimension_numbers<[1], [0], [0], [1], [0, 0, 1, 1], [], []>, transpose_lhs_hint = false} : vector<2000x256xf32>, vector<256x128xf32>, vector<2000x128xf32> -> vector<2000x128xf32>
    %get3A_302 = arith.constant 0 : index
    %get3A_303 = arith.constant 0 : index
    %get3A_304 = vector.load %arg26[%get3A_302, %get3A_303] : memref<1x128xf32, #tpu.memory_space<vmem>>, vector<1x128xf32>
    %add3A_305 = vector.broadcast %get3A_304 : vector<1x128xf32> to vector<2000x128xf32>
    %add3A_306 = arith.addf %dot_general3A_301, %add3A_305 : vector<2000x128xf32>
    %max3A_307 = arith.constant 0.000000e+00 : f32
    %max3A_308 = vector.broadcast %max3A_307 : f32 to vector<2000x128xf32>
    %max3A_309 = arith.maximumf %add3A_306, %max3A_308 : vector<2000x128xf32>
    %get3A_310 = arith.constant 0 : index
    %get3A_311 = arith.constant 0 : index
    %get3A_312 = vector.load %arg27[%get3A_310, %get3A_311] : memref<128x128xf32, #tpu.memory_space<vmem>>, vector<128x128xf32>
    %dot_general3A_313 = arith.constant dense<0.000000e+00> : vector<2000x128xf32>
    %dot_general3A_314 = tpu.matmul %max3A_309, %get3A_312, %dot_general3A_313 {dimension_numbers = #tpu.dot_dimension_numbers<[1], [0], [0], [1], [0, 0, 1, 1], [], []>, transpose_lhs_hint = false} : vector<2000x128xf32>, vector<128x128xf32>, vector<2000x128xf32> -> vector<2000x128xf32>
    %get3A_315 = arith.constant 0 : index
    %get3A_316 = arith.constant 0 : index
    %get3A_317 = vector.load %arg28[%get3A_315, %get3A_316] : memref<1x128xf32, #tpu.memory_space<vmem>>, vector<1x128xf32>
    %add3A_318 = vector.broadcast %get3A_317 : vector<1x128xf32> to vector<2000x128xf32>
    %add3A_319 = arith.addf %dot_general3A_314, %add3A_318 : vector<2000x128xf32>
    %max3A_320 = arith.constant 0.000000e+00 : f32
    %max3A_321 = vector.broadcast %max3A_320 : f32 to vector<2000x128xf32>
    %max3A_322 = arith.maximumf %add3A_319, %max3A_321 : vector<2000x128xf32>
    %swap3A = arith.constant 0 : index
    %swap3A_323 = arith.constant 0 : index
    %swap3A_324 = vector.load %arg29[%swap3A, %swap3A_323] : memref<2000x128xf32, #tpu.memory_space<vmem>>, vector<2000x128xf32>
    tpu.vector_store %arg29[%swap3A, %swap3A_323], %max3A_322 {strides = array<i32>} : memref<2000x128xf32, #tpu.memory_space<vmem>>, vector<2000x128xf32>,
    return
  }
}

</mosaic_0001>

<sc_bundles>
// kernel: kernel.11.cloned.1.call-start
scs
__scs_entry_jumppad:
0x0: {  	(pc) =	sbr.rel $0x88, $3  }
0x1: {  	(tag) =	ssettag $0x0;
	lr =	simm.s32 $0x1  }
0x2: {  	[smem:$0x3F82] =	sst lr;
	_ =	strace $0xD0000000  }
0x3: {  	_ = 	snop  }
0x4: {  	_ = 	snop  }
0x5: {  	_ = 	snop  }
0x6: {  	_ = 	snop  }
0x7: {  	_ = 	snop  }
__scs_overlays_trampoline_lowered:
0x8: {  	[smem:$0x3F91] =	sst s0  }
0x9: {  	[smem:$0x3F92] =	sst s1  }
0xa: {  	[smem:$0x3F93] =	sst s2  }
0xb: {  	[smem:$0x3F94] =	sst s3  }
0xc: {  	[smem:$0x3F95] =	sst s4  }
0xd: {  	[smem:$0x3F96] =	sst s5  }
0xe: {  	[smem:$0x3F97] =	sst s6  }
0xf: {  	[smem:$0x3F98] =	sst s7  }
0x10: {  	[smem:$0x3F99] =	sst s8  }
0x11: {  	[smem:$0x3F9A] =	sst s9;
	s0 =	simm.s32 @!p0 $0x0  }
0x12: {  	s1 =	sld [smem:$0x3F80];
	s0 =	simm.s32 @p0 $0x1  }
0x13: {  	[smem:$0x3F9B] =	sst s0;
	s0 =	simm.s32 @!p1 $0x0  }
0x14: {  	s2 =	sld [smem:$0x3F7F];
	s0 =	simm.s32 @p1 $0x1  }
0x15: {  	[smem:$0x3F9C] =	sst s0;
	s0 =	simm.s32 @!p2 $0x0  }
0x16: {  	s3 =	sld [smem:$0x3FDB];
	s0 =	simm.s32 @p2 $0x1  }
0x17: {  	s4 =	simm.s32 $0x1BF5;
	[smem:$0x3F9E] =	sst s0  }
0x18: {  	s0 =	sld [smem:$0x3F81];
	_ =	swait.ge [sflag:s4], $0x0  }
0x19: {  	s7 =	sld [smem:$0x3F82]  }
0x1a: {  	s8 =	sadd.s32 $0xFFFFE003, lr  }
0x1b: {  	s9 =	sadd.s32 $0xFFFFFEF7, lr;
	s5 =	simm.s32 $0xFFFFFFFF;
	p2 =	slt.u32 s8, $0xFFFFF086  }
0x1c: {  	p1 =	slt.u32 s9, $0xF7A;
	s5 =	simm.s32 @!p2 $0x0  }
0x1d: {  	s5 =	simm.s32 @p1 $0x1;
	p0 =	seq.s32 s7, s2  }
0x1e: {  	s7 =	smul.u32 @!p0 $0xF7A, s2;
	p2 =	seq.s32 @!p0 s5, $0x0  }
0x1f: {  	s9 =	smul.u32 $0xF7A, s1;
	s8 =	simm.s32 @!p0 $0x1BF5;
	p2 =	por !p2, p0  }
0x20: {  	[sflag:s8] =	ssyncset.s32 @!p0 $0xFFFFF086;
	s6 =	sadd.s32 @!p0 s3, s7;
	s7 =	simm.s32 @!p0 $0x108  }
0x21: {  	s3 =	sadd.s32 s3, s9;
	s6 =	sadd.s32 @!p0 $0x88, s6;
	s7 =	simm.s32 @p2 $0x1082  }
0x22: {  	[simem:s7], [sflag:s8] =	dma.local @!p0 [hbm:s6], $0xF7A  }
0x23: {  	s9 =	sor.u32 $0xD0000000, s2;
	s6 =	simm.s32 $0x108;
	_ =	swait.ge @!p0 [sflag:s8], $0x0  }
0x24: {  	s3 =	sadd.s32 $0x88, s3;
	s6 =	simm.s32 @!p1 $0x1082;
	[sflag:s4] =	ssyncset.s32 $0xFFFFF086  }
0x25: {  	[simem:s6], [sflag:s4] =	dma.local [hbm:s3], $0xF7A  }
0x26: {  	[smem:$0x3F82] =	sst s1;
	(tag) =	ssettag s2;
	_ =	strace s9  }
0x27: {  	s1 =	sld [smem:$0x3F92]  }
0x28: {  	s2 =	sld [smem:$0x3F93]  }
0x29: {  	s4 =	sld [smem:$0x3F95]  }
0x2a: {  	p0 =	seq.s32 s5, $0x0;
	s5 =	sld [smem:$0x3F96]  }
0x2b: {  	s6 =	sld [smem:$0x3F97]  }
0x2c: {  	s7 =	sld [smem:$0x3F98]  }
0x2d: {  	s3 =	simm.s32 $0x108;
	s8 =	sld [smem:$0x3F99]  }
0x2e: {  	s3 =	simm.s32 @!p0 $0x1082;
	s9 =	sld [smem:$0x3F9A]  }
0x2f: {  	lr =	sadd.s32 s0, s3;
	s0 =	sld [smem:$0x3F91]  }
0x30: {  	s3 =	sld [smem:$0x3F94]  }
0x31: {  	[smem:$0x3F9D] =	sst s10  }
0x32: {  	s10 =	sld [smem:$0x3F9B];
	_ =	sdelay $0x3  }
0x33: {  	p0 =	seq.s32 s10, $0x1;
	s10 =	sld [smem:$0x3F9D];
	_ =	sdelay $0x3  }
0x34: {  	[smem:$0x3F9D] =	sst s10  }
0x35: {  	s10 =	sld [smem:$0x3F9C];
	_ =	sdelay $0x3  }
0x36: {  	p1 =	seq.s32 s10, $0x1;
	s10 =	sld [smem:$0x3F9D];
	_ =	sdelay $0x3  }
0x37: {  	[smem:$0x3F9D] =	sst s10  }
0x38: {  	s10 =	sld [smem:$0x3F9E]  }
0x39: {  	_ = 	snop;
	(pc) =	sbr.ind lr, $3  }
0x3a: {  	_ = 	snop  }
0x3b: {  	_ = 	snop  }
0x3c: {  	p2 =	seq.s32 s10, $0x1;
	s10 =	sld [smem:$0x3F9D]  }
0x3d: {  	_ =	shalt  }
0x3e: {  	_ =	shalt  }
0x3f: {  	_ =	shalt  }
0x40: {  	_ =	shalt  }
0x41: {  	_ =	shalt  }
0x42: {  	_ =	shalt  }
0x43: {  	_ =	shalt  }
0x44: {  	_ =	shalt  }
0x45: {  	_ =	shalt  }
0x46: {  	_ =	shalt  }
0x47: {  	_ =	shalt  }
0x48: {  	_ =	shalt  }
0x49: {  	_ =	shalt  }
0x4a: {  	_ =	shalt  }
0x4b: {  	_ =	shalt  }
0x4c: {  	_ =	shalt  }
0x4d: {  	_ =	shalt  }
0x4e: {  	_ =	shalt  }
0x4f: {  	_ =	shalt  }
0x50: {  	_ =	shalt  }
0x51: {  	_ =	shalt  }
0x52: {  	_ =	shalt  }
0x53: {  	_ =	shalt  }
0x54: {  	_ =	shalt  }
0x55: {  	_ =	shalt  }
0x56: {  	_ =	shalt  }
0x57: {  	_ =	shalt  }
0x58: {  	_ =	shalt  }
0x59: {  	_ =	shalt  }
0x5a: {  	_ =	shalt  }
0x5b: {  	_ =	shalt  }
0x5c: {  	_ =	shalt  }
0x5d: {  	_ =	shalt  }
0x5e: {  	_ =	shalt  }
0x5f: {  	_ =	shalt  }
0x60: {  	_ =	shalt  }
0x61: {  	_ =	shalt  }
0x62: {  	_ =	shalt  }
0x63: {  	_ =	shalt  }
0x64: {  	_ =	shalt  }
0x65: {  	_ =	shalt  }
0x66: {  	_ =	shalt  }
0x67: {  	_ =	shalt  }
0x68: {  	_ =	shalt  }
0x69: {  	_ =	shalt  }
0x6a: {  	_ =	shalt  }
0x6b: {  	_ =	shalt  }
0x6c: {  	_ =	shalt  }
0x6d: {  	_ =	shalt  }
0x6e: {  	_ =	shalt  }
0x6f: {  	_ =	shalt  }
0x70: {  	_ =	shalt  }
0x71: {  	_ =	shalt  }
0x72: {  	_ =	shalt  }
0x73: {  	_ =	shalt  }
0x74: {  	_ =	shalt  }
0x75: {  	_ =	shalt  }
0x76: {  	_ =	shalt  }
0x77: {  	_ =	shalt  }
0x78: {  	_ =	shalt  }
0x79: {  	_ =	shalt  }
0x7a: {  	_ =	shalt  }
0x7b: {  	_ =	shalt  }
0x7c: {  	_ =	shalt  }
0x7d: {  	_ =	shalt  }
0x7e: {  	_ =	shalt  }
0x7f: {  	_ =	shalt  }
0x80: {  	_ =	shalt  }
0x81: {  	_ =	shalt  }
0x82: {  	_ =	shalt  }
0x83: {  	_ =	shalt  }
0x84: {  	_ =	shalt  }
0x85: {  	_ =	shalt  }
0x86: {  	_ =	shalt  }
0x87: {  	_ =	shalt  }
.Lfunc_end0:
.L_simem_size_0:
called_computation.1_lowered:
.L_overlay_start_0:
0x88: {  	s2 =	sld [smem:$0x3FD9]  }
0x89: {  	s3 =	sld [smem:$0x3FFE];
	_ =	sdelay $0x1  }
0x8a: {  	s1 =	srdreg.scid  }
0x8b: {  	s0 =	sand.u32 $0x1, s1  }
0x8c: {  	s16 =	sshll.u32 s0, $0xA;
	s2 =	sadd.s32 s3, s2  }
0x8d: {  	s2 =	sadd.s32 s2, s16  }
0x8e: {  	[smem:$0x3FA9] =	sst s2  }
0x8f: {  	_ = 	snop  }
0x90: {  	(tm) =	ssettm $0x1  }
0x91: {  	s17 =	sld [smem:$0x3FFB];
	_ =	sdelay $0x3  }
0x92: {  	_ =	strace s17  }
0x93: {  	s2 =	sld [smem:$0x3FFC];
	_ =	sdelay $0x3  }
0x94: {  	_ =	strace s2  }
0x95: {  	s2 =	sld [smem:$0x3FFD];
	_ =	sdelay $0x3  }
0x96: {  	_ =	strace s2  }
0x97: {  	_ =	strace $0x8FFFFFFF  }
0x98: {  	s18 =	sld [smem:$0x3FDB];
	_ =	sdelay $0x1  }
0x99: {  	s19 =	simm.s32 $_scs_section_size  }
0x9a: {  	s4 =	simm.s32 $_size__tile_overlayer_lowered;
	s5 =	simm.s32 $_tile_overlayer_lowered  }
0x9b: {  	s22 =	simm.s32 $0x1BFF;
	s21 =	sshll.u32 s5, $0x1;
	s2 =	sadd.s32 s19, s18  }
0x9c: {  	s6 =	simm.s32 $0x0;
	s20 =	sshll.u32 s4, $0x1;
	s4 =	sadd.s32 s21, s2  }
0x9d: {  	[timem:s6], [sflag:s22] =	dma.local [hbm:s4], s20  }
0x9e: {  	_ =	swait.ge [sflag:s22], s20  }
0x9f: {  	s3 =	ssub.s32 $0x0, s20;
	[sflag:s22] =	ssyncset.done $0x0  }
0xa0: {  	[sflag:s22] =	ssyncadd.s32 s3;
	_ =	sdelay $0x1  }
0xa1: {  	s23 =	simm.s32 $0x1B8B  }
0xa2: {  	_ =	swait.ge [sflag:s23], $0x1  }
0xa3: {  	[sflag:s23] =	ssyncset.done $0x0  }
0xa4: {  	s25 =	simm.s32 $0x1B8E;
	s24 =	sld [smem:$0x3FFE];
	[sflag:s23] =	ssyncadd.s32 $0xFFFFFFFF  }
0xa5: {  	s26 =	simm.s32 $execute0_lowered;
	[smem:$0x3FD2] =	sst s25  }
0xa6: {  	s4 =	sshll.u32 s26, $0x1;
	_ =	strace $0x80000049;
	[dreg:$0x1] =	wrdreg $0xFFFFFFFF  }
0xa7: {  	s28 =	simm.s32 $_size_execute0_lowered;
	s2 =	sadd.s32 s2, s4;
	[dreg:$0x0] =	wrdreg $0x0  }
0xa8: {  	s4 =	sshll.u32 s28, $0x1;
	[dreg:$0x2] =	wrdreg s2  }
0xa9: {  	[dreg:$0x3] =	wrdreg s4  }
0xaa: {  	[dreg:$0x4] =	wrdreg $0xC0  }
0xab: {  	_ =	task [dreg:s6], $0x5FFFF  }
0xac: {  	[dreg:$0x1] =	wrdreg $0xFFFFFFFF  }
0xad: {  	[dreg:$0x0] =	wrdreg $0x60  }
0xae: {  	[dreg:$0x2] =	wrdreg s24  }
0xaf: {  	[dreg:$0x3] =	wrdreg $0x82000  }
0xb0: {  	[dreg:$0x4] =	wrdreg $0x9  }
0xb1: {  	_ =	task.clear_ibuf [dreg:s6], $0x5FFFF;
	_ =	strace $0x90000049  }
0xb2: {  	s29 =	simm.s32 $0x9;
	_ =	strace $0x8000004B  }
0xb3: {  	_ =	swait.ge [sflag:s29], $0x1  }
0xb4: {  	[sflag:s29] =	ssyncadd.s32 $0xFFFFFFFF  }
0xb5: {  	_ =	strace $0x9000004B  }
0xb6: {  	_ =	sfence  }
0xb7: {  	s30 =	sld [smem:$0x0];
	_ =	sdelay $0x2  }
0xb8: {  	s31 =	sshll.u32 s1, $0xD;
	s1 =	sshrl.u32 s1, $0x2  }
0xb9: {  	s3 =	sand.u32 $0x4000, s31;
	s1 =	sadd.s32 s1, s30  }
0xba: {  	s0 =	sor.u32 s3, s0;
	s1 =	sshll.u32 s1, $0x11  }
0xbb: {  	s0 =	sor.u32 s1, s0  }
0xbc: {  	s0 =	sadd.s32 $0x8F2B, s0  }
0xbd: {  	[sflag:s0] =	ssyncadd.remote.s32 $0x1  }
0xbe: {  	_ =	sfence.sel $0xFFFF  }
0xbf: {  	[dreg:$0x0] =	wrdreg $0xFFFFFFFF;
	(pc) =	sbr.abs _section_cstart, $3  }
0xc0: {  	[dreg:$0x1] =	wrdreg $0xFFFFFFFF  }
0xc1: {  	_ =	task.clear_ibuf [dreg:s6], $0x2FFFF;
	_ =	strace $0x9FFFFFFF  }
0xc2: {  	(tm) =	ssettm $0x7FFFFFFF  }
0xc3: {  	_ =	shalt  }
tec
execute0_lowered:
.L_overlay_start_1:
0x0: {  	(tag) =	ssettag $0x1  }
0x1: {  	s5 =	rddreg [dreg:$0x0]  }
0x2: {  	s2 =	rddreg [dreg:$0x1]  }
0x3: {  	s0 =	rddreg [dreg:$0x2]  }
0x4: {  	s1 =	stileid.u32;
	s4 =	srdreg.scid;
	s3 =	simm.s32 $0x0  }
0x5: {  	s19 =	simm.s32 $0x100;
	s20 =	simm.s32 $0x4200;
	s21 =	simm.s32 $0x180  }
0x6: {  	s22 =	simm.s32 $0x1;
	s6 =	smul.u32 $0x14000, s1;
	s12 =	sand.u32 $0x1, s4  }
0x7: {  	[smem:$0x7FF] =	sst s3;
	s4 =	sadd.s32 $0x40200, s5;
	s10 =	smul.u32 $0x50000, s1  }
0x8: {  	s13 =	sadd.s32 $0x4200, s5;
	s14 =	sadd.s32 $0xE200, s5;
	s18 =	smul.u32 $0xA00, s1  }
0x9: {  	s9 =	sshll.u32 s1, $0x1;
	s30 =	sshll.u32 s1, $0x6;
	s7 =	smul.u32 $0x140000, s12  }
0xa: {  	_ =	strace $0x8000004A;
	s24 =	ssub.s32 $0x2, s12;
	s26 =	sor.u32 s12, s9  }
0xb: {  	s31 =	smul.u32 $0x500, s12;
	s8 =	sshrl.u32 s6, $0x3;
	s25 =	sshrl.u32 s24, $0x1  }
0xc: {  	s28 =	sshrl.u32 s10, $0x2;
	s29 =	smul.u32 $0x500, s26;
	s6 =	sadd.s32 s6, s7  }
0xd: {  	s23 =	sadd.s32 s8, s5;
	s15 =	ssub.s32 s24, s25;
	s16 =	sadd.s32 s28, s2  }
0xe: {  	s24 =	simm.s32 $0x0;
	s6 =	sshrl.u32 s6, $0x3;
	s7 =	sadd.s32 s13, s29  }
0xf: {  	s8 =	sadd.s32 s14, s29;
	s17 =	sadd.s32 $0x4F0, s29;
	s10 =	smax.u32 s15, $0x1  }
0x10: {  	s15 =	sshrl.u32 s16, $0x3;
	s16 =	simm.s32 $0x3;
	s11 =	sadd.s32 s6, s5  }
0x11: {  	s5 =	sadd.s32 $0x18200, s23;
	s6 =	sor.u32 $0x1C03, s30;
	s12 =	sadd.s32 s14, s17  }
0x12: {  	s14 =	sadd.s32 s18, s14;
	s23 =	simm.s32 $0x2;
	s9 =	sadd.s32 $0x68200, s11  }
0x13: {  	s11 =	sadd.s32 s13, s17;
	s13 =	sadd.s32 s18, s13;
	s14 =	sadd.s32 s31, s14  }
0x14: {  	s17 =	simm.s32 $0x80;
	s18 =	simm.s32 $0x200;
	s13 =	sadd.s32 s31, s13  }
.LBB2_1:
0x15: {  	[spmem:s15], [sflag:s6] =	dma.local [hbm:s5], $0x2800  }
0x16: {  	_ =	swait.ge [sflag:s16], $0x2800  }
0x17: {  	[sflag:s16] =	ssyncset.done $0x0  }
0x18: {  	[sflag:s16] =	ssyncadd.s32 $0xFFFFD800  }
0x19: {  	[bflag:$0x0] =	sbarrier.arrive $0xFFFF  }
0x1a: {  	[tilespmem:s3], [sflag:$0x3] =	stream.linear.gather [hbm4b:s7+s3], $0x80, $0x38;
	[tilespmem:$0x1C200] =	vst v63  }
0x1b: {  	_ =	swait.ge [sflag:s16], $0x80  }
0x1c: {  	[sflag:s16] =	ssyncset.done $0x0  }
0x1d: {  	[sflag:s16] =	ssyncadd.s32 $0xFFFFFF80  }
0x1e: {  	[tilespmem:s18], [sflag:$0x1] =	stream.indirect.gather [hbm4b:s4+s17], $0x80, s3, s17, $0xb8;
	[tilespmem:$0x1C200] =	vst v63  }
0x1f: {  	_ = 	snop  }
0x20: {  	[tilespmem:s19], [sflag:$0x3] =	stream.linear.gather [hbm4b:s8+s3], $0x80, $0x38;
	[tilespmem:$0x1C200] =	vst v63  }
0x21: {  	_ =	swait.ge [sflag:s16], $0x80  }
0x22: {  	s25 =	sadd.s32 $0x0, s13;
	[sflag:s16] =	ssyncset.done $0x0  }
0x23: {  	s26 =	sadd.s32 $0x10, s25;
	[sflag:s16] =	ssyncadd.s32 $0xFFFFFF80  }
0x24: {  	[tilespmem:s17], [sflag:$0x3] =	stream.linear.gather [hbm4b:s26+s3], $0x80, $0x38;
	[tilespmem:$0x1C200] =	vst v63  }
0x25: {  	_ =	swait.ge [sflag:s16], $0x80  }
0x26: {  	[sflag:s16] =	ssyncset.done $0x0  }
0x27: {  	s30 =	sadd.s32 $0x0, s14;
	[sflag:s16] =	ssyncadd.s32 $0xFFFFFF80  }
0x28: {  	[tilespmem:s20], [sflag:$0x2] =	stream.indirect.gather [hbm4b:s4+s17], $0x80, s17, s17, $0xb8;
	[tilespmem:$0x1C200] =	vst v63  }
0x29: {  	s28 =	sadd.s32 $0x10, s30  }
0x2a: {  	[tilespmem:s21], [sflag:$0x3] =	stream.linear.gather [hbm4b:s28+s3], $0x80, $0x38;
	[tilespmem:$0x1C200] =	vst v63  }
0x2b: {  	_ =	swait.ge [sflag:s16], $0x80  }
0x2c: {  	[sflag:s16] =	ssyncset.done $0x0  }
0x2d: {  	[sflag:s16] =	ssyncadd.s32 $0xFFFFFF80  }
0x2e: {  	_ =	swait.ge [sflag:s22], $0x4000  }
0x2f: {  	[sflag:s22] =	ssyncset.done $0x0  }
0x30: {  	[sflag:s22] =	ssyncadd.s32 $0xFFFFC000  }
0x31: {  	[spmem:s2] =	stream.indirect.scatter.add.f32 [tilespmem:s18], [sflag:$0x3], $0x80, s19, s17, $0xb8;
	[tilespmem:$0x1C200] =	vst v63  }
0x32: {  	_ =	swait.ge [sflag:s16], $0x4000  }
0x33: {  	[sflag:s16] =	ssyncset.done $0x0  }
0x34: {  	s25 =	sadd.s32 $0x20, s25;
	[sflag:s16] =	ssyncadd.s32 $0xFFFFC000  }
0x35: {  	[tilespmem:s3], [sflag:$0x3] =	stream.linear.gather [hbm4b:s25+s3], $0x80, $0x38;
	[tilespmem:$0x1C200] =	vst v63  }
0x36: {  	_ =	swait.ge [sflag:s16], $0x80  }
0x37: {  	[sflag:s16] =	ssyncset.done $0x0  }
0x38: {  	[sflag:s16] =	ssyncadd.s32 $0xFFFFFF80  }
0x39: {  	[tilespmem:s18], [sflag:$0x1] =	stream.indirect.gather [hbm4b:s4+s17], $0x80, s3, s17, $0xb8;
	[tilespmem:$0x1C200] =	vst v63  }
0x3a: {  	s31 =	sadd.s32 $0x20, s30  }
0x3b: {  	[tilespmem:s19], [sflag:$0x3] =	stream.linear.gather [hbm4b:s31+s3], $0x80, $0x38;
	[tilespmem:$0x1C200] =	vst v63  }
0x3c: {  	_ =	swait.ge [sflag:s16], $0x80  }
0x3d: {  	[sflag:s16] =	ssyncset.done $0x0  }
0x3e: {  	[sflag:s16] =	ssyncadd.s32 $0xFFFFFF80  }
0x3f: {  	_ =	swait.ge [sflag:s23], $0x4000  }
0x40: {  	[sflag:s23] =	ssyncset.done $0x0  }
0x41: {  	[sflag:s23] =	ssyncadd.s32 $0xFFFFC000  }
0x42: {  	[spmem:s2] =	stream.indirect.scatter.add.f32 [tilespmem:s20], [sflag:$0x3], $0x80, s21, s17, $0xb8;
	[tilespmem:$0x1C200] =	vst v63  }
0x43: {  	s29 =	simm.s32 $0x40;
	_ =	swait.ge [sflag:s16], $0x4000  }
0x44: {  	s28 =	sadd.s32 $0x20, s13;
	s25 =	simm.s32 $0x20;
	[sflag:s16] =	ssyncset.done $0x0  }
.LBB2_2:
0x45: {  	s30 =	sadd.s32 $0x10, s28  }
0x46: {  	[sflag:s16] =	ssyncadd.s32 $0xFFFFC000;
	s31 =	smov.u32 s29;
	s26 =	sadd.s32 $0x20, s29  }
0x47: {  	[tilespmem:s17], [sflag:$0x3] =	stream.linear.gather [hbm4b:s30+s3], $0x80, $0x38;
	[tilespmem:$0x1C200] =	vst v63  }
0x48: {  	p0 =	sne.s32 s29, $0x4C0;
	_ =	swait.ge [sflag:s16], $0x80  }
0x49: {  	[sflag:s16] =	ssyncset.done $0x0  }
0x4a: {  	s29 =	sadd.s32 s25, s14;
	s25 =	smov.u32 s31;
	[sflag:s16] =	ssyncadd.s32 $0xFFFFFF80  }
0x4b: {  	[tilespmem:s20], [sflag:$0x2] =	stream.indirect.gather [hbm4b:s4+s17], $0x80, s17, s17, $0xb8;
	[tilespmem:$0x1C200] =	vst v63  }
0x4c: {  	s30 =	sadd.s32 $0x10, s29  }
0x4d: {  	[tilespmem:s21], [sflag:$0x3] =	stream.linear.gather [hbm4b:s30+s3], $0x80, $0x38;
	[tilespmem:$0x1C200] =	vst v63  }
0x4e: {  	_ =	swait.ge [sflag:s16], $0x80  }
0x4f: {  	[sflag:s16] =	ssyncset.done $0x0  }
0x50: {  	[sflag:s16] =	ssyncadd.s32 $0xFFFFFF80  }
0x51: {  	_ =	swait.ge [sflag:s22], $0x4000  }
0x52: {  	[sflag:s22] =	ssyncset.done $0x0  }
0x53: {  	[sflag:s22] =	ssyncadd.s32 $0xFFFFC000  }
0x54: {  	[spmem:s2] =	stream.indirect.scatter.add.f32 [tilespmem:s18], [sflag:$0x3], $0x80, s19, s17, $0xb8;
	[tilespmem:$0x1C200] =	vst v63  }
0x55: {  	_ =	swait.ge [sflag:s16], $0x4000  }
0x56: {  	[sflag:s16] =	ssyncset.done $0x0  }
0x57: {  	s28 =	sadd.s32 $0x20, s28;
	[sflag:s16] =	ssyncadd.s32 $0xFFFFC000  }
0x58: {  	[tilespmem:s3], [sflag:$0x3] =	stream.linear.gather [hbm4b:s28+s3], $0x80, $0x38;
	[tilespmem:$0x1C200] =	vst v63  }
0x59: {  	_ =	swait.ge [sflag:s16], $0x80  }
0x5a: {  	[sflag:s16] =	ssyncset.done $0x0  }
0x5b: {  	[sflag:s16] =	ssyncadd.s32 $0xFFFFFF80  }
0x5c: {  	[tilespmem:s18], [sflag:$0x1] =	stream.indirect.gather [hbm4b:s4+s17], $0x80, s3, s17, $0xb8;
	[tilespmem:$0x1C200] =	vst v63  }
0x5d: {  	s28 =	sadd.s32 $0x20, s29  }
0x5e: {  	[tilespmem:s19], [sflag:$0x3] =	stream.linear.gather [hbm4b:s28+s3], $0x80, $0x38;
	[tilespmem:$0x1C200] =	vst v63  }
0x5f: {  	_ =	swait.ge [sflag:s16], $0x80  }
0x60: {  	[sflag:s16] =	ssyncset.done $0x0  }
0x61: {  	[sflag:s16] =	ssyncadd.s32 $0xFFFFFF80  }
0x62: {  	_ =	swait.ge [sflag:s23], $0x4000  }
.Ltmp0:
0x63: {  	[sflag:s23] =	ssyncset.done $0x0;
	(pc) =	sbr.rel @p0 .LBB2_2-.Ltmp0, $4  }
0x64: {  	[sflag:s23] =	ssyncadd.s32 $0xFFFFC000  }
0x65: {  	[spmem:s2] =	stream.indirect.scatter.add.f32 [tilespmem:s20], [sflag:$0x3], $0x80, s21, s17, $0xb8;
	[tilespmem:$0x1C200] =	vst v63  }
0x66: {  	_ =	swait.ge [sflag:s16], $0x4000  }
0x67: {  	s29 =	smov.u32 s26;
	s28 =	sadd.s32 s25, s13;
	[sflag:s16] =	ssyncset.done $0x0  }
0x68: {  	s26 =	sadd.s32 $0x10, s28;
	[sflag:s16] =	ssyncadd.s32 $0xFFFFC000  }
0x69: {  	[tilespmem:s17], [sflag:$0x3] =	stream.linear.gather [hbm4b:s26+s3], $0x80, $0x38;
	[tilespmem:$0x1C200] =	vst v63  }
0x6a: {  	_ =	swait.ge [sflag:s16], $0x80  }
0x6b: {  	[sflag:s16] =	ssyncset.done $0x0  }
0x6c: {  	s25 =	sadd.s32 s25, s14;
	[sflag:s16] =	ssyncadd.s32 $0xFFFFFF80  }
0x6d: {  	[tilespmem:s20], [sflag:$0x2] =	stream.indirect.gather [hbm4b:s4+s17], $0x80, s17, s17, $0xb8;
	[tilespmem:$0x1C200] =	vst v63  }
0x6e: {  	s30 =	sadd.s32 $0x10, s25  }
0x6f: {  	[tilespmem:s21], [sflag:$0x3] =	stream.linear.gather [hbm4b:s30+s3], $0x80, $0x38;
	[tilespmem:$0x1C200] =	vst v63  }
0x70: {  	_ =	swait.ge [sflag:s16], $0x80  }
0x71: {  	[sflag:s16] =	ssyncset.done $0x0  }
0x72: {  	[sflag:s16] =	ssyncadd.s32 $0xFFFFFF80  }
0x73: {  	_ =	swait.ge [sflag:s22], $0x4000  }
0x74: {  	[sflag:s22] =	ssyncset.done $0x0  }
0x75: {  	[sflag:s22] =	ssyncadd.s32 $0xFFFFC000  }
0x76: {  	[spmem:s2] =	stream.indirect.scatter.add.f32 [tilespmem:s18], [sflag:$0x3], $0x80, s19, s17, $0xb8;
	[tilespmem:$0x1C200] =	vst v63  }
0x77: {  	_ =	swait.ge [sflag:s16], $0x4000  }
0x78: {  	[sflag:s16] =	ssyncset.done $0x0  }
0x79: {  	s31 =	sadd.s32 $0x20, s28;
	[sflag:s16] =	ssyncadd.s32 $0xFFFFC000  }
0x7a: {  	[tilespmem:s3], [sflag:$0x3] =	stream.linear.gather [hbm4b:s31+s3], $0x80, $0x38;
	[tilespmem:$0x1C200] =	vst v63  }
0x7b: {  	_ =	swait.ge [sflag:s16], $0x80  }
0x7c: {  	[sflag:s16] =	ssyncset.done $0x0  }
0x7d: {  	[sflag:s16] =	ssyncadd.s32 $0xFFFFFF80  }
0x7e: {  	[tilespmem:s18], [sflag:$0x1] =	stream.indirect.gather [hbm4b:s4+s17], $0x80, s3, s17, $0xb8;
	[tilespmem:$0x1C200] =	vst v63  }
0x7f: {  	s25 =	sadd.s32 $0x20, s25  }
0x80: {  	[tilespmem:s19], [sflag:$0x3] =	stream.linear.gather [hbm4b:s25+s3], $0x80, $0x38;
	[tilespmem:$0x1C200] =	vst v63  }
0x81: {  	_ =	swait.ge [sflag:s16], $0x80  }
0x82: {  	[sflag:s16] =	ssyncset.done $0x0  }
0x83: {  	[sflag:s16] =	ssyncadd.s32 $0xFFFFFF80  }
0x84: {  	_ =	swait.ge [sflag:s23], $0x4000  }
0x85: {  	[sflag:s23] =	ssyncset.done $0x0  }
0x86: {  	[sflag:s23] =	ssyncadd.s32 $0xFFFFC000  }
0x87: {  	[spmem:s2] =	stream.indirect.scatter.add.f32 [tilespmem:s20], [sflag:$0x3], $0x80, s21, s17, $0xb8;
	[tilespmem:$0x1C200] =	vst v63  }
0x88: {  	_ =	swait.ge [sflag:s16], $0x4000  }
0x89: {  	[sflag:s16] =	ssyncset.done $0x0  }
0x8a: {  	[sflag:s16] =	ssyncadd.s32 $0xFFFFC000  }
0x8b: {  	[tilespmem:s17], [sflag:$0x3] =	stream.linear.gather [hbm4b:s11+s3], $0x80, $0x38;
	[tilespmem:$0x1C200] =	vst v63  }
0x8c: {  	_ =	swait.ge [sflag:s16], $0x80  }
0x8d: {  	[sflag:s16] =	ssyncset.done $0x0  }
0x8e: {  	[sflag:s16] =	ssyncadd.s32 $0xFFFFFF80  }
0x8f: {  	[tilespmem:s20], [sflag:$0x2] =	stream.indirect.gather [hbm4b:s4+s17], $0x80, s17, s17, $0xb8;
	[tilespmem:$0x1C200] =	vst v63  }
0x90: {  	_ = 	snop  }
0x91: {  	[tilespmem:s21], [sflag:$0x3] =	stream.linear.gather [hbm4b:s12+s3], $0x80, $0x38;
	[tilespmem:$0x1C200] =	vst v63  }
0x92: {  	_ =	swait.ge [sflag:s16], $0x80  }
0x93: {  	[sflag:s16] =	ssyncset.done $0x0  }
0x94: {  	[sflag:s16] =	ssyncadd.s32 $0xFFFFFF80  }
0x95: {  	_ =	swait.ge [sflag:s22], $0x4000  }
0x96: {  	[sflag:s22] =	ssyncset.done $0x0  }
0x97: {  	[sflag:s22] =	ssyncadd.s32 $0xFFFFC000  }
0x98: {  	[spmem:s2] =	stream.indirect.scatter.add.f32 [tilespmem:s18], [sflag:$0x3], $0x80, s19, s17, $0xb8;
	[tilespmem:$0x1C200] =	vst v63  }
0x99: {  	_ =	swait.ge [sflag:s16], $0x4000  }
0x9a: {  	[sflag:s16] =	ssyncset.done $0x0  }
0x9b: {  	[sflag:s16] =	ssyncadd.s32 $0xFFFFC000  }
0x9c: {  	_ =	swait.ge [sflag:s23], $0x4000  }
0x9d: {  	[sflag:s23] =	ssyncset.done $0x0  }
0x9e: {  	[sflag:s23] =	ssyncadd.s32 $0xFFFFC000  }
0x9f: {  	[spmem:s2] =	stream.indirect.scatter.add.f32 [tilespmem:s20], [sflag:$0x3], $0x80, s21, s17, $0xb8;
	[tilespmem:$0x1C200] =	vst v63  }
0xa0: {  	_ =	swait.ge [sflag:s16], $0x4000  }
0xa1: {  	s24 =	sadd.s32 $0x1, s24;
	[sflag:s16] =	ssyncset.done $0x0  }
0xa2: {  	p0 =	sne.s32 s24, s10;
	[sflag:s16] =	ssyncadd.s32 $0xFFFFC000  }
.Ltmp1:
0xa3: {  	[bflag:$0x0] =	sbarrier.arrive $0xFFFF;
	(pc) =	sbr.rel @p0 .LBB2_1-.Ltmp1, $4  }
0xa4: {  	[hbm:s9], [sflag:s6] =	dma.local [spmem:s15], $0x2800  }
0xa5: {  	_ =	swait.ge [sflag:s16], $0x2800  }
0xa6: {  	[sflag:s16] =	ssyncset.done $0x0  }
0xa7: {  	[sflag:s16] =	ssyncadd.s32 $0xFFFFD800  }
0xa8: {  	_ =	sfence.sel $0x180000  }
0xa9: {  	[bflag:$0x0] =	sbarrier.arrive $0xFFFF  }
0xaa: {  	p0 =	sne.s32 s1, $0x0;
	_ =	strace $0x9000004A  }
0xab: {  	s0 =	sadd.s32 @!p0 $0x100000, s0;
	[bflag:$0x2] =	sbarrier.arrive $0xFFFF  }
0xac: {  	[sflag:s0] =	ssyncadd.tile.s32 @!p0 $0x1;
	_ =	shalt  }
.Lfunc_end2:
_tile_overlayer_lowered:
.L_overlay_start_2:
0xad: {  	(tag) =	ssettag $0x2  }
0xae: {  	s0 =	rddreg [dreg:$0x0];
	s2 =	stileid.u32  }
0xaf: {  	s1 =	rddreg [dreg:$0x1];
	p0 =	sne.s32 s2, $0x0  }
0xb0: {  	s3 =	rddreg [dreg:$0x2];
	[bflag:$0x3] =	sbarrier.arrive $0xFFFF;
	s2 =	simm.s32 @!p0 $0x1C03  }
0xb1: {  	[timem:s3], [sflag:s2] =	dma.local @!p0 [hbm:s0], s1  }
0xb2: {  	s0 =	simm.s32 @!p0 $0x3  }
0xb3: {  	_ =	swait.ge @!p0 [sflag:s0], s1  }
0xb4: {  	s1 =	ssub.s32 @!p0 $0x0, s1;
	[sflag:s0] =	ssyncset.done @!p0 $0x0  }
0xb5: {  	[sflag:s0] =	ssyncadd.s32 @!p0 s1  }
0xb6: {  	[bflag:$0x3] =	sbarrier.arrive $0xFFFF  }
0xb7: {  	_ =	shalt  }

// kernel: kernel.14.cloned.1.call-start
scs
__scs_entry_jumppad:
0x0: {  	(pc) =	sbr.rel $0x88, $3  }
0x1: {  	(tag) =	ssettag $0x0;
	lr =	simm.s32 $0x1  }
0x2: {  	[smem:$0x3F82] =	sst lr;
	_ =	strace $0xD0000000  }
0x3: {  	_ = 	snop  }
0x4: {  	_ = 	snop  }
0x5: {  	_ = 	snop  }
0x6: {  	_ = 	snop  }
0x7: {  	_ = 	snop  }
__scs_overlays_trampoline_lowered:
0x8: {  	[smem:$0x3F91] =	sst s0  }
0x9: {  	[smem:$0x3F92] =	sst s1  }
0xa: {  	[smem:$0x3F93] =	sst s2  }
0xb: {  	[smem:$0x3F94] =	sst s3  }
0xc: {  	[smem:$0x3F95] =	sst s4  }
0xd: {  	[smem:$0x3F96] =	sst s5  }
0xe: {  	[smem:$0x3F97] =	sst s6  }
0xf: {  	[smem:$0x3F98] =	sst s7  }
0x10: {  	[smem:$0x3F99] =	sst s8  }
0x11: {  	[smem:$0x3F9A] =	sst s9;
	s0 =	simm.s32 @!p0 $0x0  }
0x12: {  	s1 =	sld [smem:$0x3F80];
	s0 =	simm.s32 @p0 $0x1  }
0x13: {  	[smem:$0x3F9B] =	sst s0;
	s0 =	simm.s32 @!p1 $0x0  }
0x14: {  	s2 =	sld [smem:$0x3F7F];
	s0 =	simm.s32 @p1 $0x1  }
0x15: {  	[smem:$0x3F9C] =	sst s0;
	s0 =	simm.s32 @!p2 $0x0  }
0x16: {  	s3 =	sld [smem:$0x3FDB];
	s0 =	simm.s32 @p2 $0x1  }
0x17: {  	s4 =	simm.s32 $0x1BF5;
	[smem:$0x3F9E] =	sst s0  }
0x18: {  	s0 =	sld [smem:$0x3F81];
	_ =	swait.ge [sflag:s4], $0x0  }
0x19: {  	s7 =	sld [smem:$0x3F82]  }
0x1a: {  	s8 =	sadd.s32 $0xFFFFE003, lr  }
0x1b: {  	s9 =	sadd.s32 $0xFFFFFEF7, lr;
	s5 =	simm.s32 $0xFFFFFFFF;
	p2 =	slt.u32 s8, $0xFFFFF086  }
0x1c: {  	p1 =	slt.u32 s9, $0xF7A;
	s5 =	simm.s32 @!p2 $0x0  }
0x1d: {  	s5 =	simm.s32 @p1 $0x1;
	p0 =	seq.s32 s7, s2  }
0x1e: {  	s7 =	smul.u32 @!p0 $0xF7A, s2;
	p2 =	seq.s32 @!p0 s5, $0x0  }
0x1f: {  	s9 =	smul.u32 $0xF7A, s1;
	s8 =	simm.s32 @!p0 $0x1BF5;
	p2 =	por !p2, p0  }
0x20: {  	[sflag:s8] =	ssyncset.s32 @!p0 $0xFFFFF086;
	s6 =	sadd.s32 @!p0 s3, s7;
	s7 =	simm.s32 @!p0 $0x108  }
0x21: {  	s3 =	sadd.s32 s3, s9;
	s6 =	sadd.s32 @!p0 $0x88, s6;
	s7 =	simm.s32 @p2 $0x1082  }
0x22: {  	[simem:s7], [sflag:s8] =	dma.local @!p0 [hbm:s6], $0xF7A  }
0x23: {  	s9 =	sor.u32 $0xD0000000, s2;
	s6 =	simm.s32 $0x108;
	_ =	swait.ge @!p0 [sflag:s8], $0x0  }
0x24: {  	s3 =	sadd.s32 $0x88, s3;
	s6 =	simm.s32 @!p1 $0x1082;
	[sflag:s4] =	ssyncset.s32 $0xFFFFF086  }
0x25: {  	[simem:s6], [sflag:s4] =	dma.local [hbm:s3], $0xF7A  }
0x26: {  	[smem:$0x3F82] =	sst s1;
	(tag) =	ssettag s2;
	_ =	strace s9  }
0x27: {  	s1 =	sld [smem:$0x3F92]  }
0x28: {  	s2 =	sld [smem:$0x3F93]  }
0x29: {  	s4 =	sld [smem:$0x3F95]  }
0x2a: {  	p0 =	seq.s32 s5, $0x0;
	s5 =	sld [smem:$0x3F96]  }
0x2b: {  	s6 =	sld [smem:$0x3F97]  }
0x2c: {  	s7 =	sld [smem:$0x3F98]  }
0x2d: {  	s3 =	simm.s32 $0x108;
	s8 =	sld [smem:$0x3F99]  }
0x2e: {  	s3 =	simm.s32 @!p0 $0x1082;
	s9 =	sld [smem:$0x3F9A]  }
0x2f: {  	lr =	sadd.s32 s0, s3;
	s0 =	sld [smem:$0x3F91]  }
0x30: {  	s3 =	sld [smem:$0x3F94]  }
0x31: {  	[smem:$0x3F9D] =	sst s10  }
0x32: {  	s10 =	sld [smem:$0x3F9B];
	_ =	sdelay $0x3  }
0x33: {  	p0 =	seq.s32 s10, $0x1;
	s10 =	sld [smem:$0x3F9D];
	_ =	sdelay $0x3  }
0x34: {  	[smem:$0x3F9D] =	sst s10  }
0x35: {  	s10 =	sld [smem:$0x3F9C];
	_ =	sdelay $0x3  }
0x36: {  	p1 =	seq.s32 s10, $0x1;
	s10 =	sld [smem:$0x3F9D];
	_ =	sdelay $0x3  }
0x37: {  	[smem:$0x3F9D] =	sst s10  }
0x38: {  	s10 =	sld [smem:$0x3F9E]  }
0x39: {  	_ = 	snop;
	(pc) =	sbr.ind lr, $3  }
0x3a: {  	_ = 	snop  }
0x3b: {  	_ = 	snop  }
0x3c: {  	p2 =	seq.s32 s10, $0x1;
	s10 =	sld [smem:$0x3F9D]  }
0x3d: {  	_ =	shalt  }
0x3e: {  	_ =	shalt  }
0x3f: {  	_ =	shalt  }
0x40: {  	_ =	shalt  }
0x41: {  	_ =	shalt  }
0x42: {  	_ =	shalt  }
0x43: {  	_ =	shalt  }
0x44: {  	_ =	shalt  }
0x45: {  	_ =	shalt  }
0x46: {  	_ =	shalt  }
0x47: {  	_ =	shalt  }
0x48: {  	_ =	shalt  }
0x49: {  	_ =	shalt  }
0x4a: {  	_ =	shalt  }
0x4b: {  	_ =	shalt  }
0x4c: {  	_ =	shalt  }
0x4d: {  	_ =	shalt  }
0x4e: {  	_ =	shalt  }
0x4f: {  	_ =	shalt  }
0x50: {  	_ =	shalt  }
0x51: {  	_ =	shalt  }
0x52: {  	_ =	shalt  }
0x53: {  	_ =	shalt  }
0x54: {  	_ =	shalt  }
0x55: {  	_ =	shalt  }
0x56: {  	_ =	shalt  }
0x57: {  	_ =	shalt  }
0x58: {  	_ =	shalt  }
0x59: {  	_ =	shalt  }
0x5a: {  	_ =	shalt  }
0x5b: {  	_ =	shalt  }
0x5c: {  	_ =	shalt  }
0x5d: {  	_ =	shalt  }
0x5e: {  	_ =	shalt  }
0x5f: {  	_ =	shalt  }
0x60: {  	_ =	shalt  }
0x61: {  	_ =	shalt  }
0x62: {  	_ =	shalt  }
0x63: {  	_ =	shalt  }
0x64: {  	_ =	shalt  }
0x65: {  	_ =	shalt  }
0x66: {  	_ =	shalt  }
0x67: {  	_ =	shalt  }
0x68: {  	_ =	shalt  }
0x69: {  	_ =	shalt  }
0x6a: {  	_ =	shalt  }
0x6b: {  	_ =	shalt  }
0x6c: {  	_ =	shalt  }
0x6d: {  	_ =	shalt  }
0x6e: {  	_ =	shalt  }
0x6f: {  	_ =	shalt  }
0x70: {  	_ =	shalt  }
0x71: {  	_ =	shalt  }
0x72: {  	_ =	shalt  }
0x73: {  	_ =	shalt  }
0x74: {  	_ =	shalt  }
0x75: {  	_ =	shalt  }
0x76: {  	_ =	shalt  }
0x77: {  	_ =	shalt  }
0x78: {  	_ =	shalt  }
0x79: {  	_ =	shalt  }
0x7a: {  	_ =	shalt  }
0x7b: {  	_ =	shalt  }
0x7c: {  	_ =	shalt  }
0x7d: {  	_ =	shalt  }
0x7e: {  	_ =	shalt  }
0x7f: {  	_ =	shalt  }
0x80: {  	_ =	shalt  }
0x81: {  	_ =	shalt  }
0x82: {  	_ =	shalt  }
0x83: {  	_ =	shalt  }
0x84: {  	_ =	shalt  }
0x85: {  	_ =	shalt  }
0x86: {  	_ =	shalt  }
0x87: {  	_ =	shalt  }
.Lfunc_end0:
.L_simem_size_0:
called_computation.2_lowered:
.L_overlay_start_0:
0x88: {  	s2 =	sld [smem:$0x3FD9]  }
0x89: {  	s3 =	sld [smem:$0x3FFE];
	_ =	sdelay $0x1  }
0x8a: {  	s1 =	srdreg.scid  }
0x8b: {  	s0 =	sand.u32 $0x1, s1  }
0x8c: {  	s16 =	sshll.u32 s0, $0xA;
	s2 =	sadd.s32 s3, s2  }
0x8d: {  	s2 =	sadd.s32 s2, s16  }
0x8e: {  	[smem:$0x3FA9] =	sst s2  }
0x8f: {  	_ = 	snop  }
0x90: {  	(tm) =	ssettm $0x1  }
0x91: {  	s17 =	sld [smem:$0x3FFB];
	_ =	sdelay $0x3  }
0x92: {  	_ =	strace s17  }
0x93: {  	s2 =	sld [smem:$0x3FFC];
	_ =	sdelay $0x3  }
0x94: {  	_ =	strace s2  }
0x95: {  	s2 =	sld [smem:$0x3FFD];
	_ =	sdelay $0x3  }
0x96: {  	_ =	strace s2  }
0x97: {  	_ =	strace $0x8FFFFFFF  }
0x98: {  	s18 =	sld [smem:$0x3FDB];
	_ =	sdelay $0x1  }
0x99: {  	s19 =	simm.s32 $_scs_section_size  }
0x9a: {  	s4 =	simm.s32 $_size__tile_overlayer_lowered;
	s5 =	simm.s32 $_tile_overlayer_lowered  }
0x9b: {  	s22 =	simm.s32 $0x1BFF;
	s21 =	sshll.u32 s5, $0x1;
	s2 =	sadd.s32 s19, s18  }
0x9c: {  	s6 =	simm.s32 $0x0;
	s20 =	sshll.u32 s4, $0x1;
	s4 =	sadd.s32 s21, s2  }
0x9d: {  	[timem:s6], [sflag:s22] =	dma.local [hbm:s4], s20  }
0x9e: {  	_ =	swait.ge [sflag:s22], s20  }
0x9f: {  	s3 =	ssub.s32 $0x0, s20;
	[sflag:s22] =	ssyncset.done $0x0  }
0xa0: {  	[sflag:s22] =	ssyncadd.s32 s3;
	_ =	sdelay $0x1  }
0xa1: {  	s23 =	simm.s32 $0x1B8B  }
0xa2: {  	_ =	swait.ge [sflag:s23], $0x1  }
0xa3: {  	[sflag:s23] =	ssyncset.done $0x0  }
0xa4: {  	s25 =	simm.s32 $0x1B8E;
	s24 =	sld [smem:$0x3FFE];
	[sflag:s23] =	ssyncadd.s32 $0xFFFFFFFF  }
0xa5: {  	s26 =	simm.s32 $execute0_lowered;
	[smem:$0x3FD2] =	sst s25  }
0xa6: {  	s4 =	sshll.u32 s26, $0x1;
	_ =	strace $0x8000004C;
	[dreg:$0x1] =	wrdreg $0xFFFFFFFF  }
0xa7: {  	s28 =	simm.s32 $_size_execute0_lowered;
	s2 =	sadd.s32 s2, s4;
	[dreg:$0x0] =	wrdreg $0x0  }
0xa8: {  	s4 =	sshll.u32 s28, $0x1;
	[dreg:$0x2] =	wrdreg s2  }
0xa9: {  	[dreg:$0x3] =	wrdreg s4  }
0xaa: {  	[dreg:$0x4] =	wrdreg $0xC0  }
0xab: {  	_ =	task [dreg:s6], $0x5FFFF  }
0xac: {  	[dreg:$0x1] =	wrdreg $0xFFFFFFFF  }
0xad: {  	[dreg:$0x0] =	wrdreg $0x60  }
0xae: {  	[dreg:$0x2] =	wrdreg s24  }
0xaf: {  	[dreg:$0x3] =	wrdreg $0x82000  }
0xb0: {  	[dreg:$0x4] =	wrdreg $0x9  }
0xb1: {  	_ =	task.clear_ibuf [dreg:s6], $0x5FFFF;
	_ =	strace $0x9000004C  }
0xb2: {  	s29 =	simm.s32 $0x9;
	_ =	strace $0x8000004E  }
0xb3: {  	_ =	swait.ge [sflag:s29], $0x1  }
0xb4: {  	[sflag:s29] =	ssyncadd.s32 $0xFFFFFFFF  }
0xb5: {  	_ =	strace $0x9000004E  }
0xb6: {  	_ =	sfence  }
0xb7: {  	s30 =	sld [smem:$0x0];
	_ =	sdelay $0x2  }
0xb8: {  	s31 =	sshll.u32 s1, $0xD;
	s1 =	sshrl.u32 s1, $0x2  }
0xb9: {  	s3 =	sand.u32 $0x4000, s31;
	s1 =	sadd.s32 s1, s30  }
0xba: {  	s0 =	sor.u32 s3, s0;
	s1 =	sshll.u32 s1, $0x11  }
0xbb: {  	s0 =	sor.u32 s1, s0  }
0xbc: {  	s0 =	sadd.s32 $0x8F2B, s0  }
0xbd: {  	[sflag:s0] =	ssyncadd.remote.s32 $0x1  }
0xbe: {  	_ =	sfence.sel $0xFFFF  }
0xbf: {  	[dreg:$0x0] =	wrdreg $0xFFFFFFFF;
	(pc) =	sbr.abs _section_cstart, $3  }
0xc0: {  	[dreg:$0x1] =	wrdreg $0xFFFFFFFF  }
0xc1: {  	_ =	task.clear_ibuf [dreg:s6], $0x2FFFF;
	_ =	strace $0x9FFFFFFF  }
0xc2: {  	(tm) =	ssettm $0x7FFFFFFF  }
0xc3: {  	_ =	shalt  }
tec
execute0_lowered:
.L_overlay_start_1:
0x0: {  	(tag) =	ssettag $0x1  }
0x1: {  	s5 =	rddreg [dreg:$0x0]  }
0x2: {  	s2 =	rddreg [dreg:$0x1]  }
0x3: {  	s0 =	rddreg [dreg:$0x2]  }
0x4: {  	s1 =	stileid.u32;
	s4 =	srdreg.scid;
	s3 =	simm.s32 $0x0  }
0x5: {  	s19 =	simm.s32 $0x100;
	s20 =	simm.s32 $0x4200;
	s21 =	simm.s32 $0x180  }
0x6: {  	s22 =	simm.s32 $0x1;
	s6 =	smul.u32 $0x14000, s1;
	s12 =	sand.u32 $0x1, s4  }
0x7: {  	[smem:$0x7FF] =	sst s3;
	s4 =	sadd.s32 $0x40200, s5;
	s10 =	smul.u32 $0x50000, s1  }
0x8: {  	s13 =	sadd.s32 $0x4200, s5;
	s14 =	sadd.s32 $0xE200, s5;
	s18 =	smul.u32 $0xA00, s1  }
0x9: {  	s9 =	sshll.u32 s1, $0x1;
	s30 =	sshll.u32 s1, $0x6;
	s7 =	smul.u32 $0x140000, s12  }
0xa: {  	_ =	strace $0x8000004D;
	s24 =	ssub.s32 $0x2, s12;
	s26 =	sor.u32 s12, s9  }
0xb: {  	s31 =	smul.u32 $0x500, s12;
	s8 =	sshrl.u32 s6, $0x3;
	s25 =	sshrl.u32 s24, $0x1  }
0xc: {  	s28 =	sshrl.u32 s10, $0x2;
	s29 =	smul.u32 $0x500, s26;
	s6 =	sadd.s32 s6, s7  }
0xd: {  	s23 =	sadd.s32 s8, s5;
	s15 =	ssub.s32 s24, s25;
	s16 =	sadd.s32 s28, s2  }
0xe: {  	s24 =	simm.s32 $0x0;
	s6 =	sshrl.u32 s6, $0x3;
	s7 =	sadd.s32 s13, s29  }
0xf: {  	s8 =	sadd.s32 s14, s29;
	s17 =	sadd.s32 $0x4F0, s29;
	s10 =	smax.u32 s15, $0x1  }
0x10: {  	s15 =	sshrl.u32 s16, $0x3;
	s16 =	simm.s32 $0x3;
	s11 =	sadd.s32 s6, s5  }
0x11: {  	s5 =	sadd.s32 $0x18200, s23;
	s6 =	sor.u32 $0x1C03, s30;
	s12 =	sadd.s32 s14, s17  }
0x12: {  	s14 =	sadd.s32 s18, s14;
	s23 =	simm.s32 $0x2;
	s9 =	sadd.s32 $0x68200, s11  }
0x13: {  	s11 =	sadd.s32 s13, s17;
	s13 =	sadd.s32 s18, s13;
	s14 =	sadd.s32 s31, s14  }
0x14: {  	s17 =	simm.s32 $0x80;
	s18 =	simm.s32 $0x200;
	s13 =	sadd.s32 s31, s13  }
.LBB2_1:
0x15: {  	[spmem:s15], [sflag:s6] =	dma.local [hbm:s5], $0x2800  }
0x16: {  	_ =	swait.ge [sflag:s16], $0x2800  }
0x17: {  	[sflag:s16] =	ssyncset.done $0x0  }
0x18: {  	[sflag:s16] =	ssyncadd.s32 $0xFFFFD800  }
0x19: {  	[bflag:$0x0] =	sbarrier.arrive $0xFFFF  }
0x1a: {  	[tilespmem:s3], [sflag:$0x3] =	stream.linear.gather [hbm4b:s7+s3], $0x80, $0x38;
	[tilespmem:$0x1C200] =	vst v63  }
0x1b: {  	_ =	swait.ge [sflag:s16], $0x80  }
0x1c: {  	[sflag:s16] =	ssyncset.done $0x0  }
0x1d: {  	[sflag:s16] =	ssyncadd.s32 $0xFFFFFF80  }
0x1e: {  	[tilespmem:s18], [sflag:$0x1] =	stream.indirect.gather [hbm4b:s4+s17], $0x80, s3, s17, $0xb8;
	[tilespmem:$0x1C200] =	vst v63  }
0x1f: {  	_ = 	snop  }
0x20: {  	[tilespmem:s19], [sflag:$0x3] =	stream.linear.gather [hbm4b:s8+s3], $0x80, $0x38;
	[tilespmem:$0x1C200] =	vst v63  }
0x21: {  	_ =	swait.ge [sflag:s16], $0x80  }
0x22: {  	s25 =	sadd.s32 $0x0, s13;
	[sflag:s16] =	ssyncset.done $0x0  }
0x23: {  	s26 =	sadd.s32 $0x10, s25;
	[sflag:s16] =	ssyncadd.s32 $0xFFFFFF80  }
0x24: {  	[tilespmem:s17], [sflag:$0x3] =	stream.linear.gather [hbm4b:s26+s3], $0x80, $0x38;
	[tilespmem:$0x1C200] =	vst v63  }
0x25: {  	_ =	swait.ge [sflag:s16], $0x80  }
0x26: {  	[sflag:s16] =	ssyncset.done $0x0  }
0x27: {  	s30 =	sadd.s32 $0x0, s14;
	[sflag:s16] =	ssyncadd.s32 $0xFFFFFF80  }
0x28: {  	[tilespmem:s20], [sflag:$0x2] =	stream.indirect.gather [hbm4b:s4+s17], $0x80, s17, s17, $0xb8;
	[tilespmem:$0x1C200] =	vst v63  }
0x29: {  	s28 =	sadd.s32 $0x10, s30  }
0x2a: {  	[tilespmem:s21], [sflag:$0x3] =	stream.linear.gather [hbm4b:s28+s3], $0x80, $0x38;
	[tilespmem:$0x1C200] =	vst v63  }
0x2b: {  	_ =	swait.ge [sflag:s16], $0x80  }
0x2c: {  	[sflag:s16] =	ssyncset.done $0x0  }
0x2d: {  	[sflag:s16] =	ssyncadd.s32 $0xFFFFFF80  }
0x2e: {  	_ =	swait.ge [sflag:s22], $0x4000  }
0x2f: {  	[sflag:s22] =	ssyncset.done $0x0  }
0x30: {  	[sflag:s22] =	ssyncadd.s32 $0xFFFFC000  }
0x31: {  	[spmem:s2] =	stream.indirect.scatter.add.f32 [tilespmem:s18], [sflag:$0x3], $0x80, s19, s17, $0xb8;
	[tilespmem:$0x1C200] =	vst v63  }
0x32: {  	_ =	swait.ge [sflag:s16], $0x4000  }
0x33: {  	[sflag:s16] =	ssyncset.done $0x0  }
0x34: {  	s25 =	sadd.s32 $0x20, s25;
	[sflag:s16] =	ssyncadd.s32 $0xFFFFC000  }
0x35: {  	[tilespmem:s3], [sflag:$0x3] =	stream.linear.gather [hbm4b:s25+s3], $0x80, $0x38;
	[tilespmem:$0x1C200] =	vst v63  }
0x36: {  	_ =	swait.ge [sflag:s16], $0x80  }
0x37: {  	[sflag:s16] =	ssyncset.done $0x0  }
0x38: {  	[sflag:s16] =	ssyncadd.s32 $0xFFFFFF80  }
0x39: {  	[tilespmem:s18], [sflag:$0x1] =	stream.indirect.gather [hbm4b:s4+s17], $0x80, s3, s17, $0xb8;
	[tilespmem:$0x1C200] =	vst v63  }
0x3a: {  	s31 =	sadd.s32 $0x20, s30  }
0x3b: {  	[tilespmem:s19], [sflag:$0x3] =	stream.linear.gather [hbm4b:s31+s3], $0x80, $0x38;
	[tilespmem:$0x1C200] =	vst v63  }
0x3c: {  	_ =	swait.ge [sflag:s16], $0x80  }
0x3d: {  	[sflag:s16] =	ssyncset.done $0x0  }
0x3e: {  	[sflag:s16] =	ssyncadd.s32 $0xFFFFFF80  }
0x3f: {  	_ =	swait.ge [sflag:s23], $0x4000  }
0x40: {  	[sflag:s23] =	ssyncset.done $0x0  }
0x41: {  	[sflag:s23] =	ssyncadd.s32 $0xFFFFC000  }
0x42: {  	[spmem:s2] =	stream.indirect.scatter.add.f32 [tilespmem:s20], [sflag:$0x3], $0x80, s21, s17, $0xb8;
	[tilespmem:$0x1C200] =	vst v63  }
0x43: {  	s29 =	simm.s32 $0x40;
	_ =	swait.ge [sflag:s16], $0x4000  }
0x44: {  	s28 =	sadd.s32 $0x20, s13;
	s25 =	simm.s32 $0x20;
	[sflag:s16] =	ssyncset.done $0x0  }
.LBB2_2:
0x45: {  	s30 =	sadd.s32 $0x10, s28  }
0x46: {  	[sflag:s16] =	ssyncadd.s32 $0xFFFFC000;
	s31 =	smov.u32 s29;
	s26 =	sadd.s32 $0x20, s29  }
0x47: {  	[tilespmem:s17], [sflag:$0x3] =	stream.linear.gather [hbm4b:s30+s3], $0x80, $0x38;
	[tilespmem:$0x1C200] =	vst v63  }
0x48: {  	p0 =	sne.s32 s29, $0x4C0;
	_ =	swait.ge [sflag:s16], $0x80  }
0x49: {  	[sflag:s16] =	ssyncset.done $0x0  }
0x4a: {  	s29 =	sadd.s32 s25, s14;
	s25 =	smov.u32 s31;
	[sflag:s16] =	ssyncadd.s32 $0xFFFFFF80  }
0x4b: {  	[tilespmem:s20], [sflag:$0x2] =	stream.indirect.gather [hbm4b:s4+s17], $0x80, s17, s17, $0xb8;
	[tilespmem:$0x1C200] =	vst v63  }
0x4c: {  	s30 =	sadd.s32 $0x10, s29  }
0x4d: {  	[tilespmem:s21], [sflag:$0x3] =	stream.linear.gather [hbm4b:s30+s3], $0x80, $0x38;
	[tilespmem:$0x1C200] =	vst v63  }
0x4e: {  	_ =	swait.ge [sflag:s16], $0x80  }
0x4f: {  	[sflag:s16] =	ssyncset.done $0x0  }
0x50: {  	[sflag:s16] =	ssyncadd.s32 $0xFFFFFF80  }
0x51: {  	_ =	swait.ge [sflag:s22], $0x4000  }
0x52: {  	[sflag:s22] =	ssyncset.done $0x0  }
0x53: {  	[sflag:s22] =	ssyncadd.s32 $0xFFFFC000  }
0x54: {  	[spmem:s2] =	stream.indirect.scatter.add.f32 [tilespmem:s18], [sflag:$0x3], $0x80, s19, s17, $0xb8;
	[tilespmem:$0x1C200] =	vst v63  }
0x55: {  	_ =	swait.ge [sflag:s16], $0x4000  }
0x56: {  	[sflag:s16] =	ssyncset.done $0x0  }
0x57: {  	s28 =	sadd.s32 $0x20, s28;
	[sflag:s16] =	ssyncadd.s32 $0xFFFFC000  }
0x58: {  	[tilespmem:s3], [sflag:$0x3] =	stream.linear.gather [hbm4b:s28+s3], $0x80, $0x38;
	[tilespmem:$0x1C200] =	vst v63  }
0x59: {  	_ =	swait.ge [sflag:s16], $0x80  }
0x5a: {  	[sflag:s16] =	ssyncset.done $0x0  }
0x5b: {  	[sflag:s16] =	ssyncadd.s32 $0xFFFFFF80  }
0x5c: {  	[tilespmem:s18], [sflag:$0x1] =	stream.indirect.gather [hbm4b:s4+s17], $0x80, s3, s17, $0xb8;
	[tilespmem:$0x1C200] =	vst v63  }
0x5d: {  	s28 =	sadd.s32 $0x20, s29  }
0x5e: {  	[tilespmem:s19], [sflag:$0x3] =	stream.linear.gather [hbm4b:s28+s3], $0x80, $0x38;
	[tilespmem:$0x1C200] =	vst v63  }
0x5f: {  	_ =	swait.ge [sflag:s16], $0x80  }
0x60: {  	[sflag:s16] =	ssyncset.done $0x0  }
0x61: {  	[sflag:s16] =	ssyncadd.s32 $0xFFFFFF80  }
0x62: {  	_ =	swait.ge [sflag:s23], $0x4000  }
.Ltmp0:
0x63: {  	[sflag:s23] =	ssyncset.done $0x0;
	(pc) =	sbr.rel @p0 .LBB2_2-.Ltmp0, $4  }
0x64: {  	[sflag:s23] =	ssyncadd.s32 $0xFFFFC000  }
0x65: {  	[spmem:s2] =	stream.indirect.scatter.add.f32 [tilespmem:s20], [sflag:$0x3], $0x80, s21, s17, $0xb8;
	[tilespmem:$0x1C200] =	vst v63  }
0x66: {  	_ =	swait.ge [sflag:s16], $0x4000  }
0x67: {  	s29 =	smov.u32 s26;
	s28 =	sadd.s32 s25, s13;
	[sflag:s16] =	ssyncset.done $0x0  }
0x68: {  	s26 =	sadd.s32 $0x10, s28;
	[sflag:s16] =	ssyncadd.s32 $0xFFFFC000  }
0x69: {  	[tilespmem:s17], [sflag:$0x3] =	stream.linear.gather [hbm4b:s26+s3], $0x80, $0x38;
	[tilespmem:$0x1C200] =	vst v63  }
0x6a: {  	_ =	swait.ge [sflag:s16], $0x80  }
0x6b: {  	[sflag:s16] =	ssyncset.done $0x0  }
0x6c: {  	s25 =	sadd.s32 s25, s14;
	[sflag:s16] =	ssyncadd.s32 $0xFFFFFF80  }
0x6d: {  	[tilespmem:s20], [sflag:$0x2] =	stream.indirect.gather [hbm4b:s4+s17], $0x80, s17, s17, $0xb8;
	[tilespmem:$0x1C200] =	vst v63  }
0x6e: {  	s30 =	sadd.s32 $0x10, s25  }
0x6f: {  	[tilespmem:s21], [sflag:$0x3] =	stream.linear.gather [hbm4b:s30+s3], $0x80, $0x38;
	[tilespmem:$0x1C200] =	vst v63  }
0x70: {  	_ =	swait.ge [sflag:s16], $0x80  }
0x71: {  	[sflag:s16] =	ssyncset.done $0x0  }
0x72: {  	[sflag:s16] =	ssyncadd.s32 $0xFFFFFF80  }
0x73: {  	_ =	swait.ge [sflag:s22], $0x4000  }
0x74: {  	[sflag:s22] =	ssyncset.done $0x0  }
0x75: {  	[sflag:s22] =	ssyncadd.s32 $0xFFFFC000  }
0x76: {  	[spmem:s2] =	stream.indirect.scatter.add.f32 [tilespmem:s18], [sflag:$0x3], $0x80, s19, s17, $0xb8;
	[tilespmem:$0x1C200] =	vst v63  }
0x77: {  	_ =	swait.ge [sflag:s16], $0x4000  }
0x78: {  	[sflag:s16] =	ssyncset.done $0x0  }
0x79: {  	s31 =	sadd.s32 $0x20, s28;
	[sflag:s16] =	ssyncadd.s32 $0xFFFFC000  }
0x7a: {  	[tilespmem:s3], [sflag:$0x3] =	stream.linear.gather [hbm4b:s31+s3], $0x80, $0x38;
	[tilespmem:$0x1C200] =	vst v63  }
0x7b: {  	_ =	swait.ge [sflag:s16], $0x80  }
0x7c: {  	[sflag:s16] =	ssyncset.done $0x0  }
0x7d: {  	[sflag:s16] =	ssyncadd.s32 $0xFFFFFF80  }
0x7e: {  	[tilespmem:s18], [sflag:$0x1] =	stream.indirect.gather [hbm4b:s4+s17], $0x80, s3, s17, $0xb8;
	[tilespmem:$0x1C200] =	vst v63  }
0x7f: {  	s25 =	sadd.s32 $0x20, s25  }
0x80: {  	[tilespmem:s19], [sflag:$0x3] =	stream.linear.gather [hbm4b:s25+s3], $0x80, $0x38;
	[tilespmem:$0x1C200] =	vst v63  }
0x81: {  	_ =	swait.ge [sflag:s16], $0x80  }
0x82: {  	[sflag:s16] =	ssyncset.done $0x0  }
0x83: {  	[sflag:s16] =	ssyncadd.s32 $0xFFFFFF80  }
0x84: {  	_ =	swait.ge [sflag:s23], $0x4000  }
0x85: {  	[sflag:s23] =	ssyncset.done $0x0  }
0x86: {  	[sflag:s23] =	ssyncadd.s32 $0xFFFFC000  }
0x87: {  	[spmem:s2] =	stream.indirect.scatter.add.f32 [tilespmem:s20], [sflag:$0x3], $0x80, s21, s17, $0xb8;
	[tilespmem:$0x1C200] =	vst v63  }
0x88: {  	_ =	swait.ge [sflag:s16], $0x4000  }
0x89: {  	[sflag:s16] =	ssyncset.done $0x0  }
0x8a: {  	[sflag:s16] =	ssyncadd.s32 $0xFFFFC000  }
0x8b: {  	[tilespmem:s17], [sflag:$0x3] =	stream.linear.gather [hbm4b:s11+s3], $0x80, $0x38;
	[tilespmem:$0x1C200] =	vst v63  }
0x8c: {  	_ =	swait.ge [sflag:s16], $0x80  }
0x8d: {  	[sflag:s16] =	ssyncset.done $0x0  }
0x8e: {  	[sflag:s16] =	ssyncadd.s32 $0xFFFFFF80  }
0x8f: {  	[tilespmem:s20], [sflag:$0x2] =	stream.indirect.gather [hbm4b:s4+s17], $0x80, s17, s17, $0xb8;
	[tilespmem:$0x1C200] =	vst v63  }
0x90: {  	_ = 	snop  }
0x91: {  	[tilespmem:s21], [sflag:$0x3] =	stream.linear.gather [hbm4b:s12+s3], $0x80, $0x38;
	[tilespmem:$0x1C200] =	vst v63  }
0x92: {  	_ =	swait.ge [sflag:s16], $0x80  }
0x93: {  	[sflag:s16] =	ssyncset.done $0x0  }
0x94: {  	[sflag:s16] =	ssyncadd.s32 $0xFFFFFF80  }
0x95: {  	_ =	swait.ge [sflag:s22], $0x4000  }
0x96: {  	[sflag:s22] =	ssyncset.done $0x0  }
0x97: {  	[sflag:s22] =	ssyncadd.s32 $0xFFFFC000  }
0x98: {  	[spmem:s2] =	stream.indirect.scatter.add.f32 [tilespmem:s18], [sflag:$0x3], $0x80, s19, s17, $0xb8;
	[tilespmem:$0x1C200] =	vst v63  }
0x99: {  	_ =	swait.ge [sflag:s16], $0x4000  }
0x9a: {  	[sflag:s16] =	ssyncset.done $0x0  }
0x9b: {  	[sflag:s16] =	ssyncadd.s32 $0xFFFFC000  }
0x9c: {  	_ =	swait.ge [sflag:s23], $0x4000  }
0x9d: {  	[sflag:s23] =	ssyncset.done $0x0  }
0x9e: {  	[sflag:s23] =	ssyncadd.s32 $0xFFFFC000  }
0x9f: {  	[spmem:s2] =	stream.indirect.scatter.add.f32 [tilespmem:s20], [sflag:$0x3], $0x80, s21, s17, $0xb8;
	[tilespmem:$0x1C200] =	vst v63  }
0xa0: {  	_ =	swait.ge [sflag:s16], $0x4000  }
0xa1: {  	s24 =	sadd.s32 $0x1, s24;
	[sflag:s16] =	ssyncset.done $0x0  }
0xa2: {  	p0 =	sne.s32 s24, s10;
	[sflag:s16] =	ssyncadd.s32 $0xFFFFC000  }
.Ltmp1:
0xa3: {  	[bflag:$0x0] =	sbarrier.arrive $0xFFFF;
	(pc) =	sbr.rel @p0 .LBB2_1-.Ltmp1, $4  }
0xa4: {  	[hbm:s9], [sflag:s6] =	dma.local [spmem:s15], $0x2800  }
0xa5: {  	_ =	swait.ge [sflag:s16], $0x2800  }
0xa6: {  	[sflag:s16] =	ssyncset.done $0x0  }
0xa7: {  	[sflag:s16] =	ssyncadd.s32 $0xFFFFD800  }
0xa8: {  	_ =	sfence.sel $0x180000  }
0xa9: {  	[bflag:$0x0] =	sbarrier.arrive $0xFFFF  }
0xaa: {  	p0 =	sne.s32 s1, $0x0;
	_ =	strace $0x9000004D  }
0xab: {  	s0 =	sadd.s32 @!p0 $0x100000, s0;
	[bflag:$0x2] =	sbarrier.arrive $0xFFFF  }
0xac: {  	[sflag:s0] =	ssyncadd.tile.s32 @!p0 $0x1;
	_ =	shalt  }
.Lfunc_end2:
_tile_overlayer_lowered:
.L_overlay_start_2:
0xad: {  	(tag) =	ssettag $0x2  }
0xae: {  	s0 =	rddreg [dreg:$0x0];
	s2 =	stileid.u32  }
0xaf: {  	s1 =	rddreg [dreg:$0x1];
	p0 =	sne.s32 s2, $0x0  }
0xb0: {  	s3 =	rddreg [dreg:$0x2];
	[bflag:$0x3] =	sbarrier.arrive $0xFFFF;
	s2 =	simm.s32 @!p0 $0x1C03  }
0xb1: {  	[timem:s3], [sflag:s2] =	dma.local @!p0 [hbm:s0], s1  }
0xb2: {  	s0 =	simm.s32 @!p0 $0x3  }
0xb3: {  	_ =	swait.ge @!p0 [sflag:s0], s1  }
0xb4: {  	s1 =	ssub.s32 @!p0 $0x0, s1;
	[sflag:s0] =	ssyncset.done @!p0 $0x0  }
0xb5: {  	[sflag:s0] =	ssyncadd.s32 @!p0 s1  }
0xb6: {  	[bflag:$0x3] =	sbarrier.arrive $0xFFFF  }
0xb7: {  	_ =	shalt  }

// kernel: kernel.8.cloned.1.call-start
scs
__scs_entry_jumppad:
0x0: {  	(pc) =	sbr.rel $0x88, $3  }
0x1: {  	(tag) =	ssettag $0x0;
	lr =	simm.s32 $0x1  }
0x2: {  	[smem:$0x3F82] =	sst lr;
	_ =	strace $0xD0000000  }
0x3: {  	_ = 	snop  }
0x4: {  	_ = 	snop  }
0x5: {  	_ = 	snop  }
0x6: {  	_ = 	snop  }
0x7: {  	_ = 	snop  }
__scs_overlays_trampoline_lowered:
0x8: {  	[smem:$0x3F91] =	sst s0  }
0x9: {  	[smem:$0x3F92] =	sst s1  }
0xa: {  	[smem:$0x3F93] =	sst s2  }
0xb: {  	[smem:$0x3F94] =	sst s3  }
0xc: {  	[smem:$0x3F95] =	sst s4  }
0xd: {  	[smem:$0x3F96] =	sst s5  }
0xe: {  	[smem:$0x3F97] =	sst s6  }
0xf: {  	[smem:$0x3F98] =	sst s7  }
0x10: {  	[smem:$0x3F99] =	sst s8  }
0x11: {  	[smem:$0x3F9A] =	sst s9;
	s0 =	simm.s32 @!p0 $0x0  }
0x12: {  	s1 =	sld [smem:$0x3F80];
	s0 =	simm.s32 @p0 $0x1  }
0x13: {  	[smem:$0x3F9B] =	sst s0;
	s0 =	simm.s32 @!p1 $0x0  }
0x14: {  	s2 =	sld [smem:$0x3F7F];
	s0 =	simm.s32 @p1 $0x1  }
0x15: {  	[smem:$0x3F9C] =	sst s0;
	s0 =	simm.s32 @!p2 $0x0  }
0x16: {  	s3 =	sld [smem:$0x3FDB];
	s0 =	simm.s32 @p2 $0x1  }
0x17: {  	s4 =	simm.s32 $0x1BF5;
	[smem:$0x3F9E] =	sst s0  }
0x18: {  	s0 =	sld [smem:$0x3F81];
	_ =	swait.ge [sflag:s4], $0x0  }
0x19: {  	s7 =	sld [smem:$0x3F82]  }
0x1a: {  	s8 =	sadd.s32 $0xFFFFE003, lr  }
0x1b: {  	s9 =	sadd.s32 $0xFFFFFEF7, lr;
	s5 =	simm.s32 $0xFFFFFFFF;
	p2 =	slt.u32 s8, $0xFFFFF086  }
0x1c: {  	p1 =	slt.u32 s9, $0xF7A;
	s5 =	simm.s32 @!p2 $0x0  }
0x1d: {  	s5 =	simm.s32 @p1 $0x1;
	p0 =	seq.s32 s7, s2  }
0x1e: {  	s7 =	smul.u32 @!p0 $0xF7A, s2;
	p2 =	seq.s32 @!p0 s5, $0x0  }
0x1f: {  	s9 =	smul.u32 $0xF7A, s1;
	s8 =	simm.s32 @!p0 $0x1BF5;
	p2 =	por !p2, p0  }
0x20: {  	[sflag:s8] =	ssyncset.s32 @!p0 $0xFFFFF086;
	s6 =	sadd.s32 @!p0 s3, s7;
	s7 =	simm.s32 @!p0 $0x108  }
0x21: {  	s3 =	sadd.s32 s3, s9;
	s6 =	sadd.s32 @!p0 $0x88, s6;
	s7 =	simm.s32 @p2 $0x1082  }
0x22: {  	[simem:s7], [sflag:s8] =	dma.local @!p0 [hbm:s6], $0xF7A  }
0x23: {  	s9 =	sor.u32 $0xD0000000, s2;
	s6 =	simm.s32 $0x108;
	_ =	swait.ge @!p0 [sflag:s8], $0x0  }
0x24: {  	s3 =	sadd.s32 $0x88, s3;
	s6 =	simm.s32 @!p1 $0x1082;
	[sflag:s4] =	ssyncset.s32 $0xFFFFF086  }
0x25: {  	[simem:s6], [sflag:s4] =	dma.local [hbm:s3], $0xF7A  }
0x26: {  	[smem:$0x3F82] =	sst s1;
	(tag) =	ssettag s2;
	_ =	strace s9  }
0x27: {  	s1 =	sld [smem:$0x3F92]  }
0x28: {  	s2 =	sld [smem:$0x3F93]  }
0x29: {  	s4 =	sld [smem:$0x3F95]  }
0x2a: {  	p0 =	seq.s32 s5, $0x0;
	s5 =	sld [smem:$0x3F96]  }
0x2b: {  	s6 =	sld [smem:$0x3F97]  }
0x2c: {  	s7 =	sld [smem:$0x3F98]  }
0x2d: {  	s3 =	simm.s32 $0x108;
	s8 =	sld [smem:$0x3F99]  }
0x2e: {  	s3 =	simm.s32 @!p0 $0x1082;
	s9 =	sld [smem:$0x3F9A]  }
0x2f: {  	lr =	sadd.s32 s0, s3;
	s0 =	sld [smem:$0x3F91]  }
0x30: {  	s3 =	sld [smem:$0x3F94]  }
0x31: {  	[smem:$0x3F9D] =	sst s10  }
0x32: {  	s10 =	sld [smem:$0x3F9B];
	_ =	sdelay $0x3  }
0x33: {  	p0 =	seq.s32 s10, $0x1;
	s10 =	sld [smem:$0x3F9D];
	_ =	sdelay $0x3  }
0x34: {  	[smem:$0x3F9D] =	sst s10  }
0x35: {  	s10 =	sld [smem:$0x3F9C];
	_ =	sdelay $0x3  }
0x36: {  	p1 =	seq.s32 s10, $0x1;
	s10 =	sld [smem:$0x3F9D];
	_ =	sdelay $0x3  }
0x37: {  	[smem:$0x3F9D] =	sst s10  }
0x38: {  	s10 =	sld [smem:$0x3F9E]  }
0x39: {  	_ = 	snop;
	(pc) =	sbr.ind lr, $3  }
0x3a: {  	_ = 	snop  }
0x3b: {  	_ = 	snop  }
0x3c: {  	p2 =	seq.s32 s10, $0x1;
	s10 =	sld [smem:$0x3F9D]  }
0x3d: {  	_ =	shalt  }
0x3e: {  	_ =	shalt  }
0x3f: {  	_ =	shalt  }
0x40: {  	_ =	shalt  }
0x41: {  	_ =	shalt  }
0x42: {  	_ =	shalt  }
0x43: {  	_ =	shalt  }
0x44: {  	_ =	shalt  }
0x45: {  	_ =	shalt  }
0x46: {  	_ =	shalt  }
0x47: {  	_ =	shalt  }
0x48: {  	_ =	shalt  }
0x49: {  	_ =	shalt  }
0x4a: {  	_ =	shalt  }
0x4b: {  	_ =	shalt  }
0x4c: {  	_ =	shalt  }
0x4d: {  	_ =	shalt  }
0x4e: {  	_ =	shalt  }
0x4f: {  	_ =	shalt  }
0x50: {  	_ =	shalt  }
0x51: {  	_ =	shalt  }
0x52: {  	_ =	shalt  }
0x53: {  	_ =	shalt  }
0x54: {  	_ =	shalt  }
0x55: {  	_ =	shalt  }
0x56: {  	_ =	shalt  }
0x57: {  	_ =	shalt  }
0x58: {  	_ =	shalt  }
0x59: {  	_ =	shalt  }
0x5a: {  	_ =	shalt  }
0x5b: {  	_ =	shalt  }
0x5c: {  	_ =	shalt  }
0x5d: {  	_ =	shalt  }
0x5e: {  	_ =	shalt  }
0x5f: {  	_ =	shalt  }
0x60: {  	_ =	shalt  }
0x61: {  	_ =	shalt  }
0x62: {  	_ =	shalt  }
0x63: {  	_ =	shalt  }
0x64: {  	_ =	shalt  }
0x65: {  	_ =	shalt  }
0x66: {  	_ =	shalt  }
0x67: {  	_ =	shalt  }
0x68: {  	_ =	shalt  }
0x69: {  	_ =	shalt  }
0x6a: {  	_ =	shalt  }
0x6b: {  	_ =	shalt  }
0x6c: {  	_ =	shalt  }
0x6d: {  	_ =	shalt  }
0x6e: {  	_ =	shalt  }
0x6f: {  	_ =	shalt  }
0x70: {  	_ =	shalt  }
0x71: {  	_ =	shalt  }
0x72: {  	_ =	shalt  }
0x73: {  	_ =	shalt  }
0x74: {  	_ =	shalt  }
0x75: {  	_ =	shalt  }
0x76: {  	_ =	shalt  }
0x77: {  	_ =	shalt  }
0x78: {  	_ =	shalt  }
0x79: {  	_ =	shalt  }
0x7a: {  	_ =	shalt  }
0x7b: {  	_ =	shalt  }
0x7c: {  	_ =	shalt  }
0x7d: {  	_ =	shalt  }
0x7e: {  	_ =	shalt  }
0x7f: {  	_ =	shalt  }
0x80: {  	_ =	shalt  }
0x81: {  	_ =	shalt  }
0x82: {  	_ =	shalt  }
0x83: {  	_ =	shalt  }
0x84: {  	_ =	shalt  }
0x85: {  	_ =	shalt  }
0x86: {  	_ =	shalt  }
0x87: {  	_ =	shalt  }
.Lfunc_end0:
.L_simem_size_0:
called_computation_lowered:
.L_overlay_start_0:
0x88: {  	s2 =	sld [smem:$0x3FD9]  }
0x89: {  	s3 =	sld [smem:$0x3FFE];
	_ =	sdelay $0x1  }
0x8a: {  	s1 =	srdreg.scid  }
0x8b: {  	s0 =	sand.u32 $0x1, s1  }
0x8c: {  	s16 =	sshll.u32 s0, $0xA;
	s2 =	sadd.s32 s3, s2  }
0x8d: {  	s2 =	sadd.s32 s2, s16  }
0x8e: {  	[smem:$0x3FA9] =	sst s2  }
0x8f: {  	_ = 	snop  }
0x90: {  	(tm) =	ssettm $0x1  }
0x91: {  	s17 =	sld [smem:$0x3FFB];
	_ =	sdelay $0x3  }
0x92: {  	_ =	strace s17  }
0x93: {  	s2 =	sld [smem:$0x3FFC];
	_ =	sdelay $0x3  }
0x94: {  	_ =	strace s2  }
0x95: {  	s2 =	sld [smem:$0x3FFD];
	_ =	sdelay $0x3  }
0x96: {  	_ =	strace s2  }
0x97: {  	_ =	strace $0x8FFFFFFF  }
0x98: {  	s18 =	sld [smem:$0x3FDB];
	_ =	sdelay $0x1  }
0x99: {  	s19 =	simm.s32 $_scs_section_size  }
0x9a: {  	s4 =	simm.s32 $_size__tile_overlayer_lowered;
	s5 =	simm.s32 $_tile_overlayer_lowered  }
0x9b: {  	s22 =	simm.s32 $0x1BFF;
	s21 =	sshll.u32 s5, $0x1;
	s2 =	sadd.s32 s19, s18  }
0x9c: {  	s6 =	simm.s32 $0x0;
	s20 =	sshll.u32 s4, $0x1;
	s4 =	sadd.s32 s21, s2  }
0x9d: {  	[timem:s6], [sflag:s22] =	dma.local [hbm:s4], s20  }
0x9e: {  	_ =	swait.ge [sflag:s22], s20  }
0x9f: {  	s3 =	ssub.s32 $0x0, s20;
	[sflag:s22] =	ssyncset.done $0x0  }
0xa0: {  	[sflag:s22] =	ssyncadd.s32 s3;
	_ =	sdelay $0x1  }
0xa1: {  	s23 =	simm.s32 $0x1B8B  }
0xa2: {  	_ =	swait.ge [sflag:s23], $0x1  }
0xa3: {  	[sflag:s23] =	ssyncset.done $0x0  }
0xa4: {  	s25 =	simm.s32 $0x1B8E;
	s24 =	sld [smem:$0x3FFE];
	[sflag:s23] =	ssyncadd.s32 $0xFFFFFFFF  }
0xa5: {  	s26 =	simm.s32 $execute0_lowered;
	[smem:$0x3FD2] =	sst s25  }
0xa6: {  	s4 =	sshll.u32 s26, $0x1;
	_ =	strace $0x80000046;
	[dreg:$0x1] =	wrdreg $0xFFFFFFFF  }
0xa7: {  	s28 =	simm.s32 $_size_execute0_lowered;
	s2 =	sadd.s32 s2, s4;
	[dreg:$0x0] =	wrdreg $0x0  }
0xa8: {  	s4 =	sshll.u32 s28, $0x1;
	[dreg:$0x2] =	wrdreg s2  }
0xa9: {  	[dreg:$0x3] =	wrdreg s4  }
0xaa: {  	[dreg:$0x4] =	wrdreg $0xC0  }
0xab: {  	_ =	task [dreg:s6], $0x5FFFF  }
0xac: {  	[dreg:$0x1] =	wrdreg $0xFFFFFFFF  }
0xad: {  	[dreg:$0x0] =	wrdreg $0x60  }
0xae: {  	[dreg:$0x2] =	wrdreg s24  }
0xaf: {  	[dreg:$0x3] =	wrdreg $0x40800  }
0xb0: {  	[dreg:$0x4] =	wrdreg $0x9  }
0xb1: {  	_ =	task.clear_ibuf [dreg:s6], $0x5FFFF;
	_ =	strace $0x90000046  }
0xb2: {  	s29 =	simm.s32 $0x9;
	_ =	strace $0x80000048  }
0xb3: {  	_ =	swait.ge [sflag:s29], $0x1  }
0xb4: {  	[sflag:s29] =	ssyncadd.s32 $0xFFFFFFFF  }
0xb5: {  	_ =	strace $0x90000048  }
0xb6: {  	_ =	sfence  }
0xb7: {  	s30 =	sld [smem:$0x0];
	_ =	sdelay $0x2  }
0xb8: {  	s31 =	sshll.u32 s1, $0xD;
	s1 =	sshrl.u32 s1, $0x2  }
0xb9: {  	s3 =	sand.u32 $0x4000, s31;
	s1 =	sadd.s32 s1, s30  }
0xba: {  	s0 =	sor.u32 s3, s0;
	s1 =	sshll.u32 s1, $0x11  }
0xbb: {  	s0 =	sor.u32 s1, s0  }
0xbc: {  	s0 =	sadd.s32 $0x8F2B, s0  }
0xbd: {  	[sflag:s0] =	ssyncadd.remote.s32 $0x1  }
0xbe: {  	_ =	sfence.sel $0xFFFF  }
0xbf: {  	[dreg:$0x0] =	wrdreg $0xFFFFFFFF;
	(pc) =	sbr.abs _section_cstart, $3  }
0xc0: {  	[dreg:$0x1] =	wrdreg $0xFFFFFFFF  }
0xc1: {  	_ =	task.clear_ibuf [dreg:s6], $0x2FFFF;
	_ =	strace $0x9FFFFFFF  }
0xc2: {  	(tm) =	ssettm $0x7FFFFFFF  }
0xc3: {  	_ =	shalt  }
tec
execute0_lowered:
.L_overlay_start_1:
0x0: {  	(tag) =	ssettag $0x1  }
0x1: {  	s5 =	rddreg [dreg:$0x0]  }
0x2: {  	s2 =	rddreg [dreg:$0x1]  }
0x3: {  	s0 =	rddreg [dreg:$0x2];
	s1 =	stileid.u32  }
0x4: {  	s6 =	srdreg.scid;
	s4 =	smul.u32 $0xA00, s1  }
0x5: {  	s3 =	simm.s32 $0x0;
	s15 =	simm.s32 $0x0;
	s7 =	smul.u32 $0x14000, s1  }
0x6: {  	s6 =	sand.u32 $0x1, s6;
	[smem:$0x7FF] =	sst s3;
	s10 =	smul.u32 $0x50000, s1  }
0x7: {  	s13 =	sshll.u32 s1, $0x6;
	s8 =	smul.u32 $0x280000, s6;
	_ =	strace $0x80000047  }
0x8: {  	s30 =	ssub.s32 $0x2, s6;
	s12 =	smul.u32 $0x500, s6;
	s13 =	sor.u32 $0x1C01, s13  }
0x9: {  	s9 =	sadd.s32 s4, s5;
	s4 =	sadd.s32 $0x40200, s5;
	s11 =	sshrl.u32 s30, $0x1  }
0xa: {  	s10 =	sshrl.u32 s10, $0x2;
	s8 =	sadd.s32 s7, s8;
	s7 =	sshrl.u32 s7, $0x3  }
0xb: {  	s11 =	ssub.s32 s30, s11;
	s14 =	sadd.s32 s10, s2;
	s31 =	sadd.s32 s12, s9  }
0xc: {  	s12 =	simm.s32 $0x1;
	s8 =	sshrl.u32 s8, $0x3;
	s7 =	sadd.s32 s7, s5  }
0xd: {  	s9 =	sadd.s32 $0x4200, s31;
	s10 =	sadd.s32 $0xE200, s31;
	s8 =	sadd.s32 s8, s5  }
0xe: {  	s14 =	sshrl.u32 s14, $0x3;
	s5 =	sadd.s32 $0x18200, s7;
	s6 =	sadd.s32 $0x40A00, s8  }
0xf: {  	s7 =	sadd.s32 $0x68A00, s8;
	s8 =	smax.u32 s11, $0x1;
	s11 =	simm.s32 $0x80  }
.LBB2_1:
0x10: {  	[tilespmem:s11], [sflag:$0x1] =	stream.linear.gather [hbm4b:s4+s3], $0x4000, $0x38;
	[tilespmem:$0x18080] =	vst v63  }
0x11: {  	_ =	swait.ge [sflag:s12], $0x4000  }
0x12: {  	[sflag:s12] =	ssyncset.done $0x0  }
0x13: {  	[sflag:s12] =	ssyncadd.s32 $0xFFFFC000  }
0x14: {  	[spmem:s14], [sflag:s13] =	dma.local [hbm:s5], $0x2800  }
0x15: {  	_ =	swait.ge [sflag:s12], $0x2800  }
0x16: {  	[sflag:s12] =	ssyncset.done $0x0  }
0x17: {  	[sflag:s12] =	ssyncadd.s32 $0xFFFFD800  }
0x18: {  	s16 =	sadd.s32 $0x0, s9;
	[bflag:$0x0] =	sbarrier.arrive $0xFFFF  }
0x19: {  	[tilespmem:s3], [sflag:$0x1] =	stream.linear.gather [hbm4b:s16+s3], $0x80, $0x38;
	[tilespmem:$0x18080] =	vst v63  }
0x1a: {  	_ =	swait.ge [sflag:s12], $0x80  }
0x1b: {  	[sflag:s12] =	ssyncset.done $0x0  }
0x1c: {  	[sflag:s12] =	ssyncadd.s32 $0xFFFFFF80  }
0x1d: {  	[spmem:s2] =	stream.indirect.scatter.add.f32 [tilespmem:s11], [sflag:$0x1], $0x80, s3, s11, $0xb8;
	[tilespmem:$0x18080] =	vst v63  }
0x1e: {  	_ =	swait.ge [sflag:s12], $0x4000  }
0x1f: {  	s17 =	simm.s32 $0x20;
	s16 =	simm.s32 $0x10;
	[sflag:s12] =	ssyncset.done $0x0  }
.LBB2_2:
0x20: {  	s18 =	sadd.s32 s16, s9  }
0x21: {  	[sflag:s12] =	ssyncadd.s32 $0xFFFFC000;
	s16 =	smov.u32 s17;
	s19 =	sadd.s32 $0x10, s17  }
0x22: {  	[tilespmem:s3], [sflag:$0x1] =	stream.linear.gather [hbm4b:s18+s3], $0x80, $0x38;
	[tilespmem:$0x18080] =	vst v63  }
0x23: {  	p0 =	sne.s32 s17, $0x4F0;
	_ =	swait.ge [sflag:s12], $0x80  }
.Ltmp0:
0x24: {  	[sflag:s12] =	ssyncset.done $0x0;
	(pc) =	sbr.rel @p0 .LBB2_2-.Ltmp0, $4  }
0x25: {  	[sflag:s12] =	ssyncadd.s32 $0xFFFFFF80  }
0x26: {  	[spmem:s2] =	stream.indirect.scatter.add.f32 [tilespmem:s11], [sflag:$0x1], $0x80, s3, s11, $0xb8;
	[tilespmem:$0x18080] =	vst v63  }
0x27: {  	_ =	swait.ge [sflag:s12], $0x4000  }
0x28: {  	s17 =	smov.u32 s19;
	[sflag:s12] =	ssyncset.done $0x0  }
0x29: {  	s16 =	sadd.s32 s16, s9;
	[sflag:s12] =	ssyncadd.s32 $0xFFFFC000  }
0x2a: {  	[tilespmem:s3], [sflag:$0x1] =	stream.linear.gather [hbm4b:s16+s3], $0x80, $0x38;
	[tilespmem:$0x18080] =	vst v63  }
0x2b: {  	_ =	swait.ge [sflag:s12], $0x80  }
0x2c: {  	[sflag:s12] =	ssyncset.done $0x0  }
0x2d: {  	[sflag:s12] =	ssyncadd.s32 $0xFFFFFF80  }
0x2e: {  	[spmem:s2] =	stream.indirect.scatter.add.f32 [tilespmem:s11], [sflag:$0x1], $0x80, s3, s11, $0xb8;
	[tilespmem:$0x18080] =	vst v63  }
0x2f: {  	_ =	swait.ge [sflag:s12], $0x4000  }
0x30: {  	[sflag:s12] =	ssyncset.done $0x0  }
0x31: {  	[sflag:s12] =	ssyncadd.s32 $0xFFFFC000  }
0x32: {  	[bflag:$0x0] =	sbarrier.arrive $0xFFFF  }
0x33: {  	[hbm:s6], [sflag:s13] =	dma.local [spmem:s14], $0x2800  }
0x34: {  	_ =	swait.ge [sflag:s12], $0x2800  }
0x35: {  	[sflag:s12] =	ssyncset.done $0x0  }
0x36: {  	[sflag:s12] =	ssyncadd.s32 $0xFFFFD800  }
0x37: {  	[bflag:$0x0] =	sbarrier.arrive $0xFFFF  }
0x38: {  	[spmem:s14], [sflag:s13] =	dma.local [hbm:s5], $0x2800  }
0x39: {  	_ =	swait.ge [sflag:s12], $0x2800  }
0x3a: {  	[sflag:s12] =	ssyncset.done $0x0  }
0x3b: {  	[sflag:s12] =	ssyncadd.s32 $0xFFFFD800  }
0x3c: {  	s31 =	sadd.s32 $0x0, s10;
	[bflag:$0x0] =	sbarrier.arrive $0xFFFF  }
0x3d: {  	[tilespmem:s3], [sflag:$0x1] =	stream.linear.gather [hbm4b:s31+s3], $0x80, $0x38;
	[tilespmem:$0x18080] =	vst v63  }
0x3e: {  	_ =	swait.ge [sflag:s12], $0x80  }
0x3f: {  	[sflag:s12] =	ssyncset.done $0x0  }
0x40: {  	[sflag:s12] =	ssyncadd.s32 $0xFFFFFF80  }
0x41: {  	[spmem:s2] =	stream.indirect.scatter.add.f32 [tilespmem:s11], [sflag:$0x1], $0x80, s3, s11, $0xb8;
	[tilespmem:$0x18080] =	vst v63  }
0x42: {  	_ =	swait.ge [sflag:s12], $0x4000  }
0x43: {  	s17 =	simm.s32 $0x20;
	s16 =	simm.s32 $0x10;
	[sflag:s12] =	ssyncset.done $0x0  }
.LBB2_4:
0x44: {  	s18 =	sadd.s32 s16, s10  }
0x45: {  	[sflag:s12] =	ssyncadd.s32 $0xFFFFC000;
	s16 =	smov.u32 s17;
	s19 =	sadd.s32 $0x10, s17  }
0x46: {  	[tilespmem:s3], [sflag:$0x1] =	stream.linear.gather [hbm4b:s18+s3], $0x80, $0x38;
	[tilespmem:$0x18080] =	vst v63  }
0x47: {  	p0 =	sne.s32 s17, $0x4F0;
	_ =	swait.ge [sflag:s12], $0x80  }
.Ltmp1:
0x48: {  	[sflag:s12] =	ssyncset.done $0x0;
	(pc) =	sbr.rel @p0 .LBB2_4-.Ltmp1, $4  }
0x49: {  	[sflag:s12] =	ssyncadd.s32 $0xFFFFFF80  }
0x4a: {  	[spmem:s2] =	stream.indirect.scatter.add.f32 [tilespmem:s11], [sflag:$0x1], $0x80, s3, s11, $0xb8;
	[tilespmem:$0x18080] =	vst v63  }
0x4b: {  	_ =	swait.ge [sflag:s12], $0x4000  }
0x4c: {  	s17 =	smov.u32 s19;
	[sflag:s12] =	ssyncset.done $0x0  }
0x4d: {  	s16 =	sadd.s32 s16, s10;
	[sflag:s12] =	ssyncadd.s32 $0xFFFFC000  }
0x4e: {  	[tilespmem:s3], [sflag:$0x1] =	stream.linear.gather [hbm4b:s16+s3], $0x80, $0x38;
	[tilespmem:$0x18080] =	vst v63  }
0x4f: {  	_ =	swait.ge [sflag:s12], $0x80  }
0x50: {  	[sflag:s12] =	ssyncset.done $0x0  }
0x51: {  	[sflag:s12] =	ssyncadd.s32 $0xFFFFFF80  }
0x52: {  	[spmem:s2] =	stream.indirect.scatter.add.f32 [tilespmem:s11], [sflag:$0x1], $0x80, s3, s11, $0xb8;
	[tilespmem:$0x18080] =	vst v63  }
0x53: {  	_ =	swait.ge [sflag:s12], $0x4000  }
0x54: {  	[sflag:s12] =	ssyncset.done $0x0  }
0x55: {  	s15 =	sadd.s32 $0x1, s15;
	[sflag:s12] =	ssyncadd.s32 $0xFFFFC000  }
0x56: {  	p0 =	sne.s32 s15, s8;
	[bflag:$0x0] =	sbarrier.arrive $0xFFFF  }
0x57: {  	[hbm:s7], [sflag:s13] =	dma.local [spmem:s14], $0x2800  }
.Ltmp2:
0x58: {  	_ =	swait.ge [sflag:s12], $0x2800;
	(pc) =	sbr.rel @p0 .LBB2_1-.Ltmp2, $3  }
0x59: {  	[sflag:s12] =	ssyncset.done $0x0  }
0x5a: {  	[sflag:s12] =	ssyncadd.s32 $0xFFFFD800  }
0x5b: {  	[bflag:$0x0] =	sbarrier.arrive $0xFFFF;
	_ =	sdelay $0x1  }
0x5c: {  	_ =	sfence.sel $0x180000  }
0x5d: {  	[bflag:$0x0] =	sbarrier.arrive $0xFFFF  }
0x5e: {  	p0 =	sne.s32 s1, $0x0;
	_ =	strace $0x90000047  }
0x5f: {  	s0 =	sadd.s32 @!p0 $0x100000, s0;
	[bflag:$0x2] =	sbarrier.arrive $0xFFFF  }
0x60: {  	[sflag:s0] =	ssyncadd.tile.s32 @!p0 $0x1;
	_ =	shalt  }
.Lfunc_end2:
_tile_overlayer_lowered:
.L_overlay_start_2:
0x61: {  	(tag) =	ssettag $0x2  }
0x62: {  	s0 =	rddreg [dreg:$0x0];
	s2 =	stileid.u32  }
0x63: {  	s1 =	rddreg [dreg:$0x1];
	p0 =	sne.s32 s2, $0x0  }
0x64: {  	s3 =	rddreg [dreg:$0x2];
	[bflag:$0x3] =	sbarrier.arrive $0xFFFF;
	s2 =	simm.s32 @!p0 $0x1C01  }
0x65: {  	[timem:s3], [sflag:s2] =	dma.local @!p0 [hbm:s0], s1  }
0x66: {  	s0 =	simm.s32 @!p0 $0x1  }
0x67: {  	_ =	swait.ge @!p0 [sflag:s0], s1  }
0x68: {  	s1 =	ssub.s32 @!p0 $0x0, s1;
	[sflag:s0] =	ssyncset.done @!p0 $0x0  }
0x69: {  	[sflag:s0] =	ssyncadd.s32 @!p0 s1  }
0x6a: {  	[bflag:$0x3] =	sbarrier.arrive $0xFFFF  }
0x6b: {  	_ =	shalt  }

</sc_bundles>
